<compile_context>
chip_gen: v7x
topology: tpu7x:2x2x1
jax: 0.10.2.dev20260603
libtpu: 0.0.44.dev20260713+nightly
codegen_flags: <defaults>
</compile_context>

<pallas_src>
import functools

import jax
import jax.numpy as jnp
from jax import lax
from jax.experimental import pallas as pl
from jax.experimental.pallas import tpu as pltpu
from jax.experimental.pallas import tpu_sc as plsc

N_IN = 100000
N_OUT = 200000
C_IN = 128
C_OUT = 32
K = 27
M = 20000

NC = 2
NS = 16
L = 16

CH = 128
TOTAL_MSGS = K * M
CHUNKS_PER_TILE = -(-TOTAL_MSGS // (CH * NS))
PAD_MSGS = CHUNKS_PER_TILE * CH * NS
N_CHUNKS = PAD_MSGS // CH
SUPER = 3
NSS = CHUNKS_PER_TILE // SUPER

NPASS = 1
RNG = 100352
PER_TILE_ROWS = RNG // NS
ZB = 224
DUMMY = RNG
TAIL = N_OUT - (NC * NPASS - 1) * RNG - (NS - 1) * PER_TILE_ROWS

BN = 2000


def _y_body(x_ref, w_ref, y_ref):
    y_ref[...] = jnp.dot(x_ref[...], w_ref[...],
                         preferred_element_type=jnp.float32)


def _compute_y(x, w_flat):
    return pl.pallas_call(
        _y_body,
        grid=(N_IN // BN,),
        in_specs=[
            pl.BlockSpec((BN, C_IN), lambda n: (n, 0)),
            pl.BlockSpec((C_IN, K * C_OUT), lambda n: (0, 0)),
        ],
        out_specs=pl.BlockSpec((BN, K * C_OUT), lambda n: (n, 0)),
        out_shape=jax.ShapeDtypeStruct((N_IN, K * C_OUT), jnp.float32),
    )(x, w_flat)


def _sc_body(y_hbm, pairs_hbm, out_hbm,
             acc, pair_sl, lidx_sl, land, msg_sl, gsem, ssem):
    c = lax.axis_index("c")
    s = lax.axis_index("s")

    def _load_prep(t, b, base):
        pltpu.sync_copy(
            pairs_hbm.at[pl.ds(s * CHUNKS_PER_TILE + t * SUPER, SUPER)],
            pair_sl)

        def _prep(j, _):
            for g in range(CH // L):
                o = pair_sl[j, 1, pl.ds(g * L, L)]
                lo = o - base
                ok = (lo >= 0) & (lo < RNG)
                lidx_sl[b, j, pl.ds(g * L, L)] = jnp.where(ok, lo, DUMMY)
            return 0
        lax.fori_loop(0, SUPER, _prep, 0)

    def _gathers_start():
        for j in range(SUPER):
            pltpu.async_copy(y_hbm.at[pair_sl.at[j, 0]],
                             land.at[pl.ds(j * CH, CH)], gsem)

    def _gathers_drain():
        for j in range(SUPER):
            pltpu.make_async_copy(y_hbm.at[pair_sl.at[j, 0]],
                                  land.at[pl.ds(j * CH, CH)], gsem).wait()

    def _convert(b):
        def _cv(r, _):
            a = land[r, pl.ds(0, L)]
            b2 = land[r, pl.ds(L, L)]
            v = jnp.stack([a, b2]).astype(jnp.bfloat16)
            msg_sl[b, r, pl.ds(0, C_OUT)] = v.reshape((C_OUT,))
            return 0
        lax.fori_loop(0, SUPER * CH, _cv, 0)

    def _scatters_start(b):
        for j in range(SUPER):
            pltpu.async_copy(msg_sl.at[b, pl.ds(j * CH, CH)],
                             acc.at[lidx_sl.at[b, j]], ssem, add=True)

    def _scatters_drain(b):
        for j in range(SUPER):
            pltpu.make_async_copy(msg_sl.at[b, pl.ds(j * CH, CH)],
                                  acc.at[lidx_sl.at[b, j]], ssem).wait()

    for p in range(NPASS):
        base = (NPASS * c + p) * RNG

        def _zb(r, _):
            msg_sl[0, r, pl.ds(0, C_OUT)] = jnp.zeros((C_OUT,),
                                                      jnp.bfloat16)
            return 0
        lax.fori_loop(0, SUPER * CH, _zb, 0)

        def _zero(i, _):
            pltpu.sync_copy(
                msg_sl.at[0],
                acc.at[pl.ds(s * PER_TILE_ROWS + i * (SUPER * CH),
                             SUPER * CH)])
            return 0
        lax.fori_loop(0, PER_TILE_ROWS // (SUPER * CH), _zero, 0)
        pltpu.sync_copy(
            msg_sl.at[0, pl.ds(0, PER_TILE_ROWS % (SUPER * CH))],
            acc.at[pl.ds(s * PER_TILE_ROWS
                         + (PER_TILE_ROWS // (SUPER * CH)) * (SUPER * CH),
                         PER_TILE_ROWS % (SUPER * CH))])
        plsc.subcore_barrier()

        _load_prep(0, 0, base)
        _gathers_start()

        def _sstep(th, _):
            for b in range(2):
                t = 2 * th + b
                _gathers_drain()
                _convert(b)

                @pl.when(t > 0)
                def _():
                    _scatters_drain(1 - b)

                @pl.when(t < NSS - 1)
                def _():
                    _load_prep(t + 1, 1 - b, base)
                    _gathers_start()

                _scatters_start(b)
            return 0
        lax.fori_loop(0, NSS // 2, _sstep, 0)
        _scatters_drain((NSS - 1) % 2)
        plsc.subcore_barrier()

        if p == NPASS - 1:
            is_last = (c == NC - 1) & (s == NS - 1)

            @pl.when(is_last)
            def _():
                pltpu.sync_copy(
                    acc.at[pl.ds(s * PER_TILE_ROWS, TAIL)],
                    out_hbm.at[pl.ds(base + s * PER_TILE_ROWS, TAIL)])

            @pl.when(jnp.logical_not(is_last))
            def _():
                pltpu.sync_copy(
                    acc.at[pl.ds(s * PER_TILE_ROWS, PER_TILE_ROWS)],
                    out_hbm.at[pl.ds(base + s * PER_TILE_ROWS,
                                     PER_TILE_ROWS)])
        else:
            pltpu.sync_copy(
                acc.at[pl.ds(s * PER_TILE_ROWS, PER_TILE_ROWS)],
                out_hbm.at[pl.ds(base + s * PER_TILE_ROWS, PER_TILE_ROWS)])
        plsc.subcore_barrier()


@functools.partial(
    pl.kernel,
    out_type=jax.ShapeDtypeStruct((N_OUT, C_OUT), jnp.bfloat16),
    mesh=plsc.VectorSubcoreMesh(core_axis_name="c", subcore_axis_name="s",
                                num_cores=NC, num_subcores=NS),
    compiler_params=pltpu.CompilerParams(use_tc_tiling_on_sc=False),
    scratch_types=[
        pltpu.VMEM_SHARED((RNG + 8, C_OUT), jnp.bfloat16),
        pltpu.VMEM((SUPER, 2, CH), jnp.int32),
        pltpu.VMEM((2, SUPER, CH), jnp.int32),
        pltpu.VMEM((SUPER * CH, C_OUT), jnp.float32),
        pltpu.VMEM((2, SUPER * CH, C_OUT), jnp.bfloat16),
        pltpu.SemaphoreType.DMA,
        pltpu.SemaphoreType.DMA,
    ],
)
def _sc_scatter(y_hbm, pairs_hbm, out_hbm, *scratch):
    _sc_body(y_hbm, pairs_hbm, out_hbm, *scratch)


def kernel(kernel, input_features, in_idx, out_idx):
    w_flat = kernel.transpose(1, 0, 2).reshape(C_IN, K * C_OUT)
    y = _compute_y(input_features, w_flat).reshape(N_IN * K, C_OUT)

    koff = jnp.arange(K, dtype=jnp.int32)[:, None]
    inflat = (in_idx * K + koff).reshape(-1)
    outflat = out_idx.reshape(-1)
    pad = PAD_MSGS - TOTAL_MSGS
    inflat = jnp.concatenate(
        [inflat, jnp.zeros((pad,), jnp.int32)]).reshape(N_CHUNKS, 1, CH)
    outflat = jnp.concatenate(
        [outflat, jnp.full((pad,), 1 << 29, jnp.int32)]).reshape(
            N_CHUNKS, 1, CH)
    pairs = jnp.concatenate([inflat, outflat], axis=1)

    return _sc_scatter(y, pairs).astype(jnp.float32)

# --- scband reference (transcript-rebuilt; emitter-appended) ---
"""Pipeline reference for scband-custom-minkowski-convolution-transpose-8177617732129 (READ-ONLY COPY).

The authoritative reference and input builder live on the scoring server;
editing this copy changes nothing except your own understanding.
"""

import jax, jax.numpy as jnp
import numpy as np

N_IN = 100000
N_OUT = 200000
C_IN = 128
C_OUT = 32
K = 27   # kernel volume = 3**3 for dimension=3, kernel_size=3
M = 20000  # kernel-map pairs per kernel offset


def setup_inputs(seed: int = 0) -> dict:
    key = jax.random.key(seed)
    k1, k2, k3, k4 = jax.random.split(key, 4)
    kernel = jax.random.normal(k1, (K, C_IN, C_OUT), dtype=jnp.float32) * 0.02
    input_features = jax.random.normal(k2, (N_IN, C_IN), dtype=jnp.float32)
    in_idx = jax.random.randint(k3, (K, M), 0, N_IN, dtype=jnp.int32)
    out_idx = jax.random.randint(k4, (K, M), 0, N_OUT, dtype=jnp.int32)
    return {"kernel": kernel, "input_features": input_features,
            "in_idx": in_idx, "out_idx": out_idx}


def reference(kernel, input_features, in_idx, out_idx):
    # Sparse (Minkowski-style) transposed convolution via precomputed kernel maps.
    # For each kernel offset k: gather input features at in_idx[k], apply the
    # per-offset weight matrix kernel[k] (C_in x C_out), and scatter-add the
    # result into the output coordinate rows out_idx[k].
    gathered = jnp.take(input_features, in_idx, axis=0)           # [K, M, C_in]
    msgs = jnp.einsum('kmi,kio->kmo', gathered, kernel)            # [K, M, C_out]
    out = jnp.zeros((N_OUT, kernel.shape[-1]), dtype=msgs.dtype)
    out = out.at[out_idx.reshape(-1)].add(msgs.reshape(-1, msgs.shape[-1]))
    return out

if __name__ == "__main__":
    import jax
    _d = setup_inputs()
    print(jax.jit(kernel)(*tuple(_d.values())))

</pallas_src>

<mosaic_0001>
#map = affine_map<(d0, d1) -> (0, 0)>
#map1 = affine_map<(d0, d1) -> (0, 0, 0)>
module attributes {stable_mosaic.version = 14 : i64} {
  func.func @_sc_scatter(%arg0: i32, %arg1: i32, %arg2: memref<2700000x32xf32, #tpu.memory_space<hbm>>, %arg3: memref<4224x2x128xi32, #tpu.memory_space<hbm>>, %arg4: memref<200000x32xbf16, #tpu.memory_space<hbm>>, %arg5: memref<100360x32xbf16, #tpu.memory_space<vmem_shared>>, %arg6: memref<3x2x128xi32, #tpu.memory_space<vmem>>, %arg7: memref<2x3x128xi32, #tpu.memory_space<vmem>>, %arg8: memref<384x32xf32, #tpu.memory_space<vmem>>, %arg9: memref<2x384x32xbf16, #tpu.memory_space<vmem>>, %arg10: memref<!tpu.dma_semaphore, #tpu.memory_space<semaphore_mem>>, %arg11: memref<!tpu.dma_semaphore, #tpu.memory_space<semaphore_mem>>) attributes {dimension_semantics = [#tpu.dimension_semantics<core_parallel>, #tpu.dimension_semantics<subcore_parallel>], iteration_bounds = array<i64: 2, 16>, scalar_prefetch = 0 : i64, scratch_operands = 7 : i64, tpu.core_type = #tpu.core_type<sc_vector_subcore>, window_params = [{transform_indices = #map}, {transform_indices = #map1}, {transform_indices = #map}]} {
    %mul3A = arith.constant 1 : i32
    %mul3A_0 = arith.muli %mul3A, %arg0 : i32
    %add3A = arith.constant 0 : i32
    %add3A_1 = arith.addi %mul3A_0, %add3A : i32
    %mul3A_2 = arith.constant 100352 : i32
    %mul3A_3 = arith.muli %add3A_1, %mul3A_2 : i32
    %scan3A = arith.constant 0 : i32
    %scan3A_4 = arith.constant 0 : i32
    %scan3A_5 = arith.constant 384 : i32
    %scan3A_6 = arith.addi %scan3A_4, %scan3A_5 : i32
    %scan3A_7 = arith.constant 1 : i32
    %scan3A_8 = scf.for %scan3A_119 = %scan3A_4 to %scan3A_6 step %scan3A_7 iter_args(%scan3A_120 = %scan3A) -> (i32)  : i32 {
      %broadcast_in_dim3A = arith.constant 0.000000e+00 : bf16
      %broadcast_in_dim3A_121 = vector.broadcast %broadcast_in_dim3A : bf16 to vector<32xbf16>
      %swap3A = arith.constant 0 : i32
      %swap3A_122 = arith.index_cast %swap3A : i32 to index
      %swap3A_123 = arith.index_cast %scan3A_119 : i32 to index
      %swap3A_124 = arith.constant 0 : index
      %swap3A_125 = tpu.vector_load %arg9[%swap3A_122, %swap3A_123, %swap3A_124] {strides = array<i32>} : memref<2x384x32xbf16, #tpu.memory_space<vmem>>, vector<1x1x32xbf16>,
      %swap3A_126 = vector.shape_cast %swap3A_125 : vector<1x1x32xbf16> to vector<32xbf16>
      %swap3A_127 = vector.shape_cast %broadcast_in_dim3A_121 : vector<32xbf16> to vector<1x1x32xbf16>
      tpu.vector_store %arg9[%swap3A_122, %swap3A_123, %swap3A_124], %swap3A_127 {strides = array<i32>} : memref<2x384x32xbf16, #tpu.memory_space<vmem>>, vector<1x1x32xbf16>,
      %scan3A_128 = arith.constant 0 : i32
      scf.yield %scan3A_128 : i32
    }
    %scan3A_9 = arith.constant 384 : i32
    %scan3A_10 = arith.constant 0 : i32
    %scan3A_11 = arith.constant 0 : i32
    %scan3A_12 = arith.constant 16 : i32
    %scan3A_13 = arith.addi %scan3A_11, %scan3A_12 : i32
    %scan3A_14 = arith.constant 1 : i32
    %scan3A_15 = scf.for %scan3A_119 = %scan3A_11 to %scan3A_13 step %scan3A_14 iter_args(%scan3A_120 = %scan3A_10) -> (i32)  : i32 {
      %mul3A_121 = arith.constant 6272 : i32
      %mul3A_122 = arith.muli %arg1, %mul3A_121 : i32
      %mul3A_123 = arith.constant 384 : i32
      %mul3A_124 = arith.muli %scan3A_119, %mul3A_123 : i32
      %add3A_125 = arith.addi %mul3A_122, %mul3A_124 : i32
      %run_scoped3A_126 = arith.constant 0 : i32
      "tpu.region"() ({
        %run_scoped3A_128 = tpu.sem_alloc : memref<!tpu.dma_semaphore, #tpu.memory_space<semaphore_mem>>
        %dma_start3A_129 = arith.constant 0 : i32
        %dma_start3A_130 = arith.constant 0 : i32
        %dma_start3A_131 = tpu.memref_slice %arg9[%run_scoped3A_126, %dma_start3A_129, %dma_start3A_130] : memref<2x384x32xbf16, #tpu.memory_space<vmem>> -> memref<1x384x32xbf16, #tpu.memory_space<vmem>>
        %dma_start3A_132 = tpu.memref_squeeze %dma_start3A_131 : memref<1x384x32xbf16, #tpu.memory_space<vmem>> -> memref<384x32xbf16, #tpu.memory_space<vmem>>
        %dma_start3A_133 = arith.constant 0 : i32
        %dma_start3A_134 = tpu.memref_slice %arg5[%add3A_125, %dma_start3A_133] : memref<100360x32xbf16, #tpu.memory_space<vmem_shared>> -> memref<384x32xbf16, #tpu.memory_space<vmem_shared>>
        %dma_start3A_135 = arith.constant 0 : i32
        %dma_start3A_136 = tpu.memref_slice %arg5[%add3A_125, %dma_start3A_135] : memref<100360x32xbf16, #tpu.memory_space<vmem_shared>> -> memref<384x32xbf16, #tpu.memory_space<vmem_shared>>
        %dma_start3A_137 = arith.constant 0 : i32
        %dma_start3A_138 = arith.constant 0 : i32
        %dma_start3A_139 = tpu.memref_slice %arg9[%run_scoped3A_126, %dma_start3A_137, %dma_start3A_138] : memref<2x384x32xbf16, #tpu.memory_space<vmem>> -> memref<1x384x32xbf16, #tpu.memory_space<vmem>>
        %dma_start3A_140 = tpu.memref_squeeze %dma_start3A_139 : memref<1x384x32xbf16, #tpu.memory_space<vmem>> -> memref<384x32xbf16, #tpu.memory_space<vmem>>
        tpu.enqueue_dma source(%dma_start3A_140 : memref<384x32xbf16, #tpu.memory_space<vmem>>) target(%dma_start3A_136 : memref<384x32xbf16, #tpu.memory_space<vmem_shared>>) target_semaphore(%run_scoped3A_128 : memref<!tpu.dma_semaphore, #tpu.memory_space<semaphore_mem>>)
        %dma_wait3A_141 = arith.constant 0 : i32
        %dma_wait3A_142 = arith.constant 0 : i32
        %dma_wait3A_143 = tpu.memref_slice %arg9[%run_scoped3A_126, %dma_wait3A_141, %dma_wait3A_142] : memref<2x384x32xbf16, #tpu.memory_space<vmem>> -> memref<1x384x32xbf16, #tpu.memory_space<vmem>>
        %dma_wait3A_144 = tpu.memref_squeeze %dma_wait3A_143 : memref<1x384x32xbf16, #tpu.memory_space<vmem>> -> memref<384x32xbf16, #tpu.memory_space<vmem>>
        %dma_wait3A_145 = arith.constant 0 : i32
        %dma_wait3A_146 = tpu.memref_slice %arg5[%add3A_125, %dma_wait3A_145] : memref<100360x32xbf16, #tpu.memory_space<vmem_shared>> -> memref<384x32xbf16, #tpu.memory_space<vmem_shared>>
        %dma_wait3A_147 = arith.constant 0 : i32
        %dma_wait3A_148 = tpu.memref_slice %arg5[%add3A_125, %dma_wait3A_147] : memref<100360x32xbf16, #tpu.memory_space<vmem_shared>> -> memref<384x32xbf16, #tpu.memory_space<vmem_shared>>
        %dma_wait3A_149 = arith.constant 0 : i32
        %dma_wait3A_150 = arith.constant 0 : i32
        %dma_wait3A_151 = tpu.memref_slice %arg9[%run_scoped3A_126, %dma_wait3A_149, %dma_wait3A_150] : memref<2x384x32xbf16, #tpu.memory_space<vmem>> -> memref<1x384x32xbf16, #tpu.memory_space<vmem>>
        %dma_wait3A_152 = tpu.memref_squeeze %dma_wait3A_151 : memref<1x384x32xbf16, #tpu.memory_space<vmem>> -> memref<384x32xbf16, #tpu.memory_space<vmem>>
        tpu.wait_dma2 semaphore(%run_scoped3A_128 : memref<!tpu.dma_semaphore, #tpu.memory_space<semaphore_mem>>) src(%dma_wait3A_152 : memref<384x32xbf16, #tpu.memory_space<vmem>>) dst(%dma_wait3A_148 : memref<384x32xbf16, #tpu.memory_space<vmem_shared>>)
        tpu.yield
      }) : () -> ()
      %scan3A_127 = arith.constant 0 : i32
      scf.yield %scan3A_127 : i32
    }
    %scan3A_16 = arith.constant 16 : i32
    %mul3A_17 = arith.constant 6272 : i32
    %mul3A_18 = arith.muli %arg1, %mul3A_17 : i32
    %add3A_19 = arith.constant 6144 : i32
    %add3A_20 = arith.addi %mul3A_18, %add3A_19 : i32
    %run_scoped3A = arith.constant 0 : i32
    "tpu.region"() ({
      %run_scoped3A_119 = tpu.sem_alloc : memref<!tpu.dma_semaphore, #tpu.memory_space<semaphore_mem>>
      %dma_start3A_120 = arith.constant 0 : i32
      %dma_start3A_121 = arith.constant 0 : i32
      %dma_start3A_122 = tpu.memref_slice %arg9[%run_scoped3A, %dma_start3A_120, %dma_start3A_121] : memref<2x384x32xbf16, #tpu.memory_space<vmem>> -> memref<1x128x32xbf16, #tpu.memory_space<vmem>>
      %dma_start3A_123 = tpu.memref_squeeze %dma_start3A_122 : memref<1x128x32xbf16, #tpu.memory_space<vmem>> -> memref<128x32xbf16, #tpu.memory_space<vmem>>
      %dma_start3A_124 = arith.constant 0 : i32
      %dma_start3A_125 = tpu.memref_slice %arg5[%add3A_20, %dma_start3A_124] : memref<100360x32xbf16, #tpu.memory_space<vmem_shared>> -> memref<128x32xbf16, #tpu.memory_space<vmem_shared>>
      %dma_start3A_126 = arith.constant 0 : i32
      %dma_start3A_127 = tpu.memref_slice %arg5[%add3A_20, %dma_start3A_126] : memref<100360x32xbf16, #tpu.memory_space<vmem_shared>> -> memref<128x32xbf16, #tpu.memory_space<vmem_shared>>
      %dma_start3A_128 = arith.constant 0 : i32
      %dma_start3A_129 = arith.constant 0 : i32
      %dma_start3A_130 = tpu.memref_slice %arg9[%run_scoped3A, %dma_start3A_128, %dma_start3A_129] : memref<2x384x32xbf16, #tpu.memory_space<vmem>> -> memref<1x128x32xbf16, #tpu.memory_space<vmem>>
      %dma_start3A_131 = tpu.memref_squeeze %dma_start3A_130 : memref<1x128x32xbf16, #tpu.memory_space<vmem>> -> memref<128x32xbf16, #tpu.memory_space<vmem>>
      tpu.enqueue_dma source(%dma_start3A_131 : memref<128x32xbf16, #tpu.memory_space<vmem>>) target(%dma_start3A_127 : memref<128x32xbf16, #tpu.memory_space<vmem_shared>>) target_semaphore(%run_scoped3A_119 : memref<!tpu.dma_semaphore, #tpu.memory_space<semaphore_mem>>)
      %dma_wait3A_132 = arith.constant 0 : i32
      %dma_wait3A_133 = arith.constant 0 : i32
      %dma_wait3A_134 = tpu.memref_slice %arg9[%run_scoped3A, %dma_wait3A_132, %dma_wait3A_133] : memref<2x384x32xbf16, #tpu.memory_space<vmem>> -> memref<1x128x32xbf16, #tpu.memory_space<vmem>>
      %dma_wait3A_135 = tpu.memref_squeeze %dma_wait3A_134 : memref<1x128x32xbf16, #tpu.memory_space<vmem>> -> memref<128x32xbf16, #tpu.memory_space<vmem>>
      %dma_wait3A_136 = arith.constant 0 : i32
      %dma_wait3A_137 = tpu.memref_slice %arg5[%add3A_20, %dma_wait3A_136] : memref<100360x32xbf16, #tpu.memory_space<vmem_shared>> -> memref<128x32xbf16, #tpu.memory_space<vmem_shared>>
      %dma_wait3A_138 = arith.constant 0 : i32
      %dma_wait3A_139 = tpu.memref_slice %arg5[%add3A_20, %dma_wait3A_138] : memref<100360x32xbf16, #tpu.memory_space<vmem_shared>> -> memref<128x32xbf16, #tpu.memory_space<vmem_shared>>
      %dma_wait3A_140 = arith.constant 0 : i32
      %dma_wait3A_141 = arith.constant 0 : i32
      %dma_wait3A_142 = tpu.memref_slice %arg9[%run_scoped3A, %dma_wait3A_140, %dma_wait3A_141] : memref<2x384x32xbf16, #tpu.memory_space<vmem>> -> memref<1x128x32xbf16, #tpu.memory_space<vmem>>
      %dma_wait3A_143 = tpu.memref_squeeze %dma_wait3A_142 : memref<1x128x32xbf16, #tpu.memory_space<vmem>> -> memref<128x32xbf16, #tpu.memory_space<vmem>>
      tpu.wait_dma2 semaphore(%run_scoped3A_119 : memref<!tpu.dma_semaphore, #tpu.memory_space<semaphore_mem>>) src(%dma_wait3A_143 : memref<128x32xbf16, #tpu.memory_space<vmem>>) dst(%dma_wait3A_139 : memref<128x32xbf16, #tpu.memory_space<vmem_shared>>)
      tpu.yield
    }) : () -> ()
    %barrier3A = arith.constant 0 : index
    tpu.barrier barrier_id(%barrier3A)
    %mul3A_21 = arith.constant 264 : i32
    %mul3A_22 = arith.muli %arg1, %mul3A_21 : i32
    %add3A_23 = arith.constant 0 : i32
    %add3A_24 = arith.addi %mul3A_22, %add3A_23 : i32
    "tpu.region"() ({
      %run_scoped3A_119 = tpu.sem_alloc : memref<!tpu.dma_semaphore, #tpu.memory_space<semaphore_mem>>
      %dma_start3A_120 = arith.constant 0 : i32
      %dma_start3A_121 = arith.constant 0 : i32
      %dma_start3A_122 = tpu.memref_slice %arg3[%add3A_24, %dma_start3A_120, %dma_start3A_121] : memref<4224x2x128xi32, #tpu.memory_space<hbm>> -> memref<3x2x128xi32, #tpu.memory_space<hbm>>
      %dma_start3A_123 = arith.constant 0 : i32
      %dma_start3A_124 = arith.constant 0 : i32
      %dma_start3A_125 = tpu.memref_slice %arg3[%add3A_24, %dma_start3A_123, %dma_start3A_124] : memref<4224x2x128xi32, #tpu.memory_space<hbm>> -> memref<3x2x128xi32, #tpu.memory_space<hbm>>
      tpu.enqueue_dma source(%dma_start3A_125 : memref<3x2x128xi32, #tpu.memory_space<hbm>>) target(%arg6 : memref<3x2x128xi32, #tpu.memory_space<vmem>>) target_semaphore(%run_scoped3A_119 : memref<!tpu.dma_semaphore, #tpu.memory_space<semaphore_mem>>)
      %dma_wait3A_126 = arith.constant 0 : i32
      %dma_wait3A_127 = arith.constant 0 : i32
      %dma_wait3A_128 = tpu.memref_slice %arg3[%add3A_24, %dma_wait3A_126, %dma_wait3A_127] : memref<4224x2x128xi32, #tpu.memory_space<hbm>> -> memref<3x2x128xi32, #tpu.memory_space<hbm>>
      %dma_wait3A_129 = arith.constant 0 : i32
      %dma_wait3A_130 = arith.constant 0 : i32
      %dma_wait3A_131 = tpu.memref_slice %arg3[%add3A_24, %dma_wait3A_129, %dma_wait3A_130] : memref<4224x2x128xi32, #tpu.memory_space<hbm>> -> memref<3x2x128xi32, #tpu.memory_space<hbm>>
      tpu.wait_dma2 semaphore(%run_scoped3A_119 : memref<!tpu.dma_semaphore, #tpu.memory_space<semaphore_mem>>) src(%dma_wait3A_131 : memref<3x2x128xi32, #tpu.memory_space<hbm>>) dst(%arg6 : memref<3x2x128xi32, #tpu.memory_space<vmem>>)
      tpu.yield
    }) : () -> ()
    %scan3A_25 = arith.constant 0 : i32
    %scan3A_26 = arith.constant 0 : i32
    %scan3A_27 = arith.constant 3 : i32
    %scan3A_28 = arith.addi %scan3A_26, %scan3A_27 : i32
    %scan3A_29 = arith.constant 1 : i32
    %scan3A_30 = scf.for %scan3A_119 = %scan3A_26 to %scan3A_28 step %scan3A_29 iter_args(%scan3A_120 = %scan3A_25) -> (i32)  : i32 {
      %get3A = arith.constant 1 : i32
      %get3A_121 = arith.index_cast %scan3A_119 : i32 to index
      %get3A_122 = arith.index_cast %get3A : i32 to index
      %get3A_123 = arith.constant 0 : index
      %get3A_124 = tpu.vector_load %arg6[%get3A_121, %get3A_122, %get3A_123] {strides = array<i32>} : memref<3x2x128xi32, #tpu.memory_space<vmem>>, vector<1x1x16xi32>,
      %get3A_125 = vector.shape_cast %get3A_124 : vector<1x1x16xi32> to vector<16xi32>
      %sub3A = vector.broadcast %mul3A_3 : i32 to vector<16xi32>
      %sub3A_126 = arith.subi %get3A_125, %sub3A : vector<16xi32>
      %ge3A = arith.constant 0 : i32
      %ge3A_127 = vector.broadcast %ge3A : i32 to vector<16xi32>
      %ge3A_128 = arith.cmpi sge, %sub3A_126, %ge3A_127 : vector<16xi32>
      %lt3A = arith.constant 100352 : i32
      %lt3A_129 = vector.broadcast %lt3A : i32 to vector<16xi32>
      %lt3A_130 = arith.cmpi slt, %sub3A_126, %lt3A_129 : vector<16xi32>
      %and3A_131 = arith.andi %ge3A_128, %lt3A_130 : vector<16xi1>
      %jit3A = arith.constant 100352 : i32
      %broadcast_in_dim3A = vector.broadcast %jit3A : i32 to vector<16xi32>
      %select_n3A = arith.select %and3A_131, %sub3A_126, %broadcast_in_dim3A : vector<16xi1>, vector<16xi32>
      %swap3A = arith.constant 0 : i32
      %swap3A_132 = arith.index_cast %swap3A : i32 to index
      %swap3A_133 = arith.index_cast %scan3A_119 : i32 to index
      %swap3A_134 = arith.constant 0 : index
      %swap3A_135 = tpu.vector_load %arg7[%swap3A_132, %swap3A_133, %swap3A_134] {strides = array<i32>} : memref<2x3x128xi32, #tpu.memory_space<vmem>>, vector<1x1x16xi32>,
      %swap3A_136 = vector.shape_cast %swap3A_135 : vector<1x1x16xi32> to vector<16xi32>
      %swap3A_137 = vector.shape_cast %select_n3A : vector<16xi32> to vector<1x1x16xi32>
      tpu.vector_store %arg7[%swap3A_132, %swap3A_133, %swap3A_134], %swap3A_137 {strides = array<i32>} : memref<2x3x128xi32, #tpu.memory_space<vmem>>, vector<1x1x16xi32>,
      %get3A_138 = arith.constant 1 : i32
      %get3A_139 = arith.index_cast %scan3A_119 : i32 to index
      %get3A_140 = arith.index_cast %get3A_138 : i32 to index
      %get3A_141 = arith.constant 16 : index
      %get3A_142 = tpu.vector_load %arg6[%get3A_139, %get3A_140, %get3A_141] {strides = array<i32>} : memref<3x2x128xi32, #tpu.memory_space<vmem>>, vector<1x1x16xi32>,
      %get3A_143 = vector.shape_cast %get3A_142 : vector<1x1x16xi32> to vector<16xi32>
      %sub3A_144 = vector.broadcast %mul3A_3 : i32 to vector<16xi32>
      %sub3A_145 = arith.subi %get3A_143, %sub3A_144 : vector<16xi32>
      %ge3A_146 = arith.constant 0 : i32
      %ge3A_147 = vector.broadcast %ge3A_146 : i32 to vector<16xi32>
      %ge3A_148 = arith.cmpi sge, %sub3A_145, %ge3A_147 : vector<16xi32>
      %lt3A_149 = arith.constant 100352 : i32
      %lt3A_150 = vector.broadcast %lt3A_149 : i32 to vector<16xi32>
      %lt3A_151 = arith.cmpi slt, %sub3A_145, %lt3A_150 : vector<16xi32>
      %and3A_152 = arith.andi %ge3A_148, %lt3A_151 : vector<16xi1>
      %jit3A_153 = arith.constant 100352 : i32
      %broadcast_in_dim3A_154 = vector.broadcast %jit3A_153 : i32 to vector<16xi32>
      %select_n3A_155 = arith.select %and3A_152, %sub3A_145, %broadcast_in_dim3A_154 : vector<16xi1>, vector<16xi32>
      %swap3A_156 = arith.constant 0 : i32
      %swap3A_157 = arith.index_cast %swap3A_156 : i32 to index
      %swap3A_158 = arith.index_cast %scan3A_119 : i32 to index
      %swap3A_159 = arith.constant 16 : index
      %swap3A_160 = tpu.vector_load %arg7[%swap3A_157, %swap3A_158, %swap3A_159] {strides = array<i32>} : memref<2x3x128xi32, #tpu.memory_space<vmem>>, vector<1x1x16xi32>,
      %swap3A_161 = vector.shape_cast %swap3A_160 : vector<1x1x16xi32> to vector<16xi32>
      %swap3A_162 = vector.shape_cast %select_n3A_155 : vector<16xi32> to vector<1x1x16xi32>
      tpu.vector_store %arg7[%swap3A_157, %swap3A_158, %swap3A_159], %swap3A_162 {strides = array<i32>} : memref<2x3x128xi32, #tpu.memory_space<vmem>>, vector<1x1x16xi32>,
      %get3A_163 = arith.constant 1 : i32
      %get3A_164 = arith.index_cast %scan3A_119 : i32 to index
      %get3A_165 = arith.index_cast %get3A_163 : i32 to index
      %get3A_166 = arith.constant 32 : index
      %get3A_167 = tpu.vector_load %arg6[%get3A_164, %get3A_165, %get3A_166] {strides = array<i32>} : memref<3x2x128xi32, #tpu.memory_space<vmem>>, vector<1x1x16xi32>,
      %get3A_168 = vector.shape_cast %get3A_167 : vector<1x1x16xi32> to vector<16xi32>
      %sub3A_169 = vector.broadcast %mul3A_3 : i32 to vector<16xi32>
      %sub3A_170 = arith.subi %get3A_168, %sub3A_169 : vector<16xi32>
      %ge3A_171 = arith.constant 0 : i32
      %ge3A_172 = vector.broadcast %ge3A_171 : i32 to vector<16xi32>
      %ge3A_173 = arith.cmpi sge, %sub3A_170, %ge3A_172 : vector<16xi32>
      %lt3A_174 = arith.constant 100352 : i32
      %lt3A_175 = vector.broadcast %lt3A_174 : i32 to vector<16xi32>
      %lt3A_176 = arith.cmpi slt, %sub3A_170, %lt3A_175 : vector<16xi32>
      %and3A_177 = arith.andi %ge3A_173, %lt3A_176 : vector<16xi1>
      %jit3A_178 = arith.constant 100352 : i32
      %broadcast_in_dim3A_179 = vector.broadcast %jit3A_178 : i32 to vector<16xi32>
      %select_n3A_180 = arith.select %and3A_177, %sub3A_170, %broadcast_in_dim3A_179 : vector<16xi1>, vector<16xi32>
      %swap3A_181 = arith.constant 0 : i32
      %swap3A_182 = arith.index_cast %swap3A_181 : i32 to index
      %swap3A_183 = arith.index_cast %scan3A_119 : i32 to index
      %swap3A_184 = arith.constant 32 : index
      %swap3A_185 = tpu.vector_load %arg7[%swap3A_182, %swap3A_183, %swap3A_184] {strides = array<i32>} : memref<2x3x128xi32, #tpu.memory_space<vmem>>, vector<1x1x16xi32>,
      %swap3A_186 = vector.shape_cast %swap3A_185 : vector<1x1x16xi32> to vector<16xi32>
      %swap3A_187 = vector.shape_cast %select_n3A_180 : vector<16xi32> to vector<1x1x16xi32>
      tpu.vector_store %arg7[%swap3A_182, %swap3A_183, %swap3A_184], %swap3A_187 {strides = array<i32>} : memref<2x3x128xi32, #tpu.memory_space<vmem>>, vector<1x1x16xi32>,
      %get3A_188 = arith.constant 1 : i32
      %get3A_189 = arith.index_cast %scan3A_119 : i32 to index
      %get3A_190 = arith.index_cast %get3A_188 : i32 to index
      %get3A_191 = arith.constant 48 : index
      %get3A_192 = tpu.vector_load %arg6[%get3A_189, %get3A_190, %get3A_191] {strides = array<i32>} : memref<3x2x128xi32, #tpu.memory_space<vmem>>, vector<1x1x16xi32>,
      %get3A_193 = vector.shape_cast %get3A_192 : vector<1x1x16xi32> to vector<16xi32>
      %sub3A_194 = vector.broadcast %mul3A_3 : i32 to vector<16xi32>
      %sub3A_195 = arith.subi %get3A_193, %sub3A_194 : vector<16xi32>
      %ge3A_196 = arith.constant 0 : i32
      %ge3A_197 = vector.broadcast %ge3A_196 : i32 to vector<16xi32>
      %ge3A_198 = arith.cmpi sge, %sub3A_195, %ge3A_197 : vector<16xi32>
      %lt3A_199 = arith.constant 100352 : i32
      %lt3A_200 = vector.broadcast %lt3A_199 : i32 to vector<16xi32>
      %lt3A_201 = arith.cmpi slt, %sub3A_195, %lt3A_200 : vector<16xi32>
      %and3A_202 = arith.andi %ge3A_198, %lt3A_201 : vector<16xi1>
      %jit3A_203 = arith.constant 100352 : i32
      %broadcast_in_dim3A_204 = vector.broadcast %jit3A_203 : i32 to vector<16xi32>
      %select_n3A_205 = arith.select %and3A_202, %sub3A_195, %broadcast_in_dim3A_204 : vector<16xi1>, vector<16xi32>
      %swap3A_206 = arith.constant 0 : i32
      %swap3A_207 = arith.index_cast %swap3A_206 : i32 to index
      %swap3A_208 = arith.index_cast %scan3A_119 : i32 to index
      %swap3A_209 = arith.constant 48 : index
      %swap3A_210 = tpu.vector_load %arg7[%swap3A_207, %swap3A_208, %swap3A_209] {strides = array<i32>} : memref<2x3x128xi32, #tpu.memory_space<vmem>>, vector<1x1x16xi32>,
      %swap3A_211 = vector.shape_cast %swap3A_210 : vector<1x1x16xi32> to vector<16xi32>
      %swap3A_212 = vector.shape_cast %select_n3A_205 : vector<16xi32> to vector<1x1x16xi32>
      tpu.vector_store %arg7[%swap3A_207, %swap3A_208, %swap3A_209], %swap3A_212 {strides = array<i32>} : memref<2x3x128xi32, #tpu.memory_space<vmem>>, vector<1x1x16xi32>,
      %get3A_213 = arith.constant 1 : i32
      %get3A_214 = arith.index_cast %scan3A_119 : i32 to index
      %get3A_215 = arith.index_cast %get3A_213 : i32 to index
      %get3A_216 = arith.constant 64 : index
      %get3A_217 = tpu.vector_load %arg6[%get3A_214, %get3A_215, %get3A_216] {strides = array<i32>} : memref<3x2x128xi32, #tpu.memory_space<vmem>>, vector<1x1x16xi32>,
      %get3A_218 = vector.shape_cast %get3A_217 : vector<1x1x16xi32> to vector<16xi32>
      %sub3A_219 = vector.broadcast %mul3A_3 : i32 to vector<16xi32>
      %sub3A_220 = arith.subi %get3A_218, %sub3A_219 : vector<16xi32>
      %ge3A_221 = arith.constant 0 : i32
      %ge3A_222 = vector.broadcast %ge3A_221 : i32 to vector<16xi32>
      %ge3A_223 = arith.cmpi sge, %sub3A_220, %ge3A_222 : vector<16xi32>
      %lt3A_224 = arith.constant 100352 : i32
      %lt3A_225 = vector.broadcast %lt3A_224 : i32 to vector<16xi32>
      %lt3A_226 = arith.cmpi slt, %sub3A_220, %lt3A_225 : vector<16xi32>
      %and3A_227 = arith.andi %ge3A_223, %lt3A_226 : vector<16xi1>
      %jit3A_228 = arith.constant 100352 : i32
      %broadcast_in_dim3A_229 = vector.broadcast %jit3A_228 : i32 to vector<16xi32>
      %select_n3A_230 = arith.select %and3A_227, %sub3A_220, %broadcast_in_dim3A_229 : vector<16xi1>, vector<16xi32>
      %swap3A_231 = arith.constant 0 : i32
      %swap3A_232 = arith.index_cast %swap3A_231 : i32 to index
      %swap3A_233 = arith.index_cast %scan3A_119 : i32 to index
      %swap3A_234 = arith.constant 64 : index
      %swap3A_235 = tpu.vector_load %arg7[%swap3A_232, %swap3A_233, %swap3A_234] {strides = array<i32>} : memref<2x3x128xi32, #tpu.memory_space<vmem>>, vector<1x1x16xi32>,
      %swap3A_236 = vector.shape_cast %swap3A_235 : vector<1x1x16xi32> to vector<16xi32>
      %swap3A_237 = vector.shape_cast %select_n3A_230 : vector<16xi32> to vector<1x1x16xi32>
      tpu.vector_store %arg7[%swap3A_232, %swap3A_233, %swap3A_234], %swap3A_237 {strides = array<i32>} : memref<2x3x128xi32, #tpu.memory_space<vmem>>, vector<1x1x16xi32>,
      %get3A_238 = arith.constant 1 : i32
      %get3A_239 = arith.index_cast %scan3A_119 : i32 to index
      %get3A_240 = arith.index_cast %get3A_238 : i32 to index
      %get3A_241 = arith.constant 80 : index
      %get3A_242 = tpu.vector_load %arg6[%get3A_239, %get3A_240, %get3A_241] {strides = array<i32>} : memref<3x2x128xi32, #tpu.memory_space<vmem>>, vector<1x1x16xi32>,
      %get3A_243 = vector.shape_cast %get3A_242 : vector<1x1x16xi32> to vector<16xi32>
      %sub3A_244 = vector.broadcast %mul3A_3 : i32 to vector<16xi32>
      %sub3A_245 = arith.subi %get3A_243, %sub3A_244 : vector<16xi32>
      %ge3A_246 = arith.constant 0 : i32
      %ge3A_247 = vector.broadcast %ge3A_246 : i32 to vector<16xi32>
      %ge3A_248 = arith.cmpi sge, %sub3A_245, %ge3A_247 : vector<16xi32>
      %lt3A_249 = arith.constant 100352 : i32
      %lt3A_250 = vector.broadcast %lt3A_249 : i32 to vector<16xi32>
      %lt3A_251 = arith.cmpi slt, %sub3A_245, %lt3A_250 : vector<16xi32>
      %and3A_252 = arith.andi %ge3A_248, %lt3A_251 : vector<16xi1>
      %jit3A_253 = arith.constant 100352 : i32
      %broadcast_in_dim3A_254 = vector.broadcast %jit3A_253 : i32 to vector<16xi32>
      %select_n3A_255 = arith.select %and3A_252, %sub3A_245, %broadcast_in_dim3A_254 : vector<16xi1>, vector<16xi32>
      %swap3A_256 = arith.constant 0 : i32
      %swap3A_257 = arith.index_cast %swap3A_256 : i32 to index
      %swap3A_258 = arith.index_cast %scan3A_119 : i32 to index
      %swap3A_259 = arith.constant 80 : index
      %swap3A_260 = tpu.vector_load %arg7[%swap3A_257, %swap3A_258, %swap3A_259] {strides = array<i32>} : memref<2x3x128xi32, #tpu.memory_space<vmem>>, vector<1x1x16xi32>,
      %swap3A_261 = vector.shape_cast %swap3A_260 : vector<1x1x16xi32> to vector<16xi32>
      %swap3A_262 = vector.shape_cast %select_n3A_255 : vector<16xi32> to vector<1x1x16xi32>
      tpu.vector_store %arg7[%swap3A_257, %swap3A_258, %swap3A_259], %swap3A_262 {strides = array<i32>} : memref<2x3x128xi32, #tpu.memory_space<vmem>>, vector<1x1x16xi32>,
      %get3A_263 = arith.constant 1 : i32
      %get3A_264 = arith.index_cast %scan3A_119 : i32 to index
      %get3A_265 = arith.index_cast %get3A_263 : i32 to index
      %get3A_266 = arith.constant 96 : index
      %get3A_267 = tpu.vector_load %arg6[%get3A_264, %get3A_265, %get3A_266] {strides = array<i32>} : memref<3x2x128xi32, #tpu.memory_space<vmem>>, vector<1x1x16xi32>,
      %get3A_268 = vector.shape_cast %get3A_267 : vector<1x1x16xi32> to vector<16xi32>
      %sub3A_269 = vector.broadcast %mul3A_3 : i32 to vector<16xi32>
      %sub3A_270 = arith.subi %get3A_268, %sub3A_269 : vector<16xi32>
      %ge3A_271 = arith.constant 0 : i32
      %ge3A_272 = vector.broadcast %ge3A_271 : i32 to vector<16xi32>
      %ge3A_273 = arith.cmpi sge, %sub3A_270, %ge3A_272 : vector<16xi32>
      %lt3A_274 = arith.constant 100352 : i32
      %lt3A_275 = vector.broadcast %lt3A_274 : i32 to vector<16xi32>
      %lt3A_276 = arith.cmpi slt, %sub3A_270, %lt3A_275 : vector<16xi32>
      %and3A_277 = arith.andi %ge3A_273, %lt3A_276 : vector<16xi1>
      %jit3A_278 = arith.constant 100352 : i32
      %broadcast_in_dim3A_279 = vector.broadcast %jit3A_278 : i32 to vector<16xi32>
      %select_n3A_280 = arith.select %and3A_277, %sub3A_270, %broadcast_in_dim3A_279 : vector<16xi1>, vector<16xi32>
      %swap3A_281 = arith.constant 0 : i32
      %swap3A_282 = arith.index_cast %swap3A_281 : i32 to index
      %swap3A_283 = arith.index_cast %scan3A_119 : i32 to index
      %swap3A_284 = arith.constant 96 : index
      %swap3A_285 = tpu.vector_load %arg7[%swap3A_282, %swap3A_283, %swap3A_284] {strides = array<i32>} : memref<2x3x128xi32, #tpu.memory_space<vmem>>, vector<1x1x16xi32>,
      %swap3A_286 = vector.shape_cast %swap3A_285 : vector<1x1x16xi32> to vector<16xi32>
      %swap3A_287 = vector.shape_cast %select_n3A_280 : vector<16xi32> to vector<1x1x16xi32>
      tpu.vector_store %arg7[%swap3A_282, %swap3A_283, %swap3A_284], %swap3A_287 {strides = array<i32>} : memref<2x3x128xi32, #tpu.memory_space<vmem>>, vector<1x1x16xi32>,
      %get3A_288 = arith.constant 1 : i32
      %get3A_289 = arith.index_cast %scan3A_119 : i32 to index
      %get3A_290 = arith.index_cast %get3A_288 : i32 to index
      %get3A_291 = arith.constant 112 : index
      %get3A_292 = tpu.vector_load %arg6[%get3A_289, %get3A_290, %get3A_291] {strides = array<i32>} : memref<3x2x128xi32, #tpu.memory_space<vmem>>, vector<1x1x16xi32>,
      %get3A_293 = vector.shape_cast %get3A_292 : vector<1x1x16xi32> to vector<16xi32>
      %sub3A_294 = vector.broadcast %mul3A_3 : i32 to vector<16xi32>
      %sub3A_295 = arith.subi %get3A_293, %sub3A_294 : vector<16xi32>
      %ge3A_296 = arith.constant 0 : i32
      %ge3A_297 = vector.broadcast %ge3A_296 : i32 to vector<16xi32>
      %ge3A_298 = arith.cmpi sge, %sub3A_295, %ge3A_297 : vector<16xi32>
      %lt3A_299 = arith.constant 100352 : i32
      %lt3A_300 = vector.broadcast %lt3A_299 : i32 to vector<16xi32>
      %lt3A_301 = arith.cmpi slt, %sub3A_295, %lt3A_300 : vector<16xi32>
      %and3A_302 = arith.andi %ge3A_298, %lt3A_301 : vector<16xi1>
      %jit3A_303 = arith.constant 100352 : i32
      %broadcast_in_dim3A_304 = vector.broadcast %jit3A_303 : i32 to vector<16xi32>
      %select_n3A_305 = arith.select %and3A_302, %sub3A_295, %broadcast_in_dim3A_304 : vector<16xi1>, vector<16xi32>
      %swap3A_306 = arith.constant 0 : i32
      %swap3A_307 = arith.index_cast %swap3A_306 : i32 to index
      %swap3A_308 = arith.index_cast %scan3A_119 : i32 to index
      %swap3A_309 = arith.constant 112 : index
      %swap3A_310 = tpu.vector_load %arg7[%swap3A_307, %swap3A_308, %swap3A_309] {strides = array<i32>} : memref<2x3x128xi32, #tpu.memory_space<vmem>>, vector<1x1x16xi32>,
      %swap3A_311 = vector.shape_cast %swap3A_310 : vector<1x1x16xi32> to vector<16xi32>
      %swap3A_312 = vector.shape_cast %select_n3A_305 : vector<16xi32> to vector<1x1x16xi32>
      tpu.vector_store %arg7[%swap3A_307, %swap3A_308, %swap3A_309], %swap3A_312 {strides = array<i32>} : memref<2x3x128xi32, #tpu.memory_space<vmem>>, vector<1x1x16xi32>,
      %scan3A_313 = arith.constant 0 : i32
      scf.yield %scan3A_313 : i32
    }
    %scan3A_31 = arith.constant 3 : i32
    %dma_start3A = arith.constant 0 : i32
    %dma_start3A_32 = arith.constant 0 : i32
    %dma_start3A_33 = arith.constant 0 : i32
    %dma_start3A_34 = arith.constant 0 : i32
    %dma_start3A_35 = tpu.memref_slice %arg8[%dma_start3A_33, %dma_start3A_34] : memref<384x32xf32, #tpu.memory_space<vmem>> -> memref<128x32xf32, #tpu.memory_space<vmem>>
    %dma_start3A_36 = arith.constant 0 : i32
    %dma_start3A_37 = tpu.memref_slice %arg6[%dma_start3A, %dma_start3A_32, %dma_start3A_36] : memref<3x2x128xi32, #tpu.memory_space<vmem>> -> memref<1x1x128xi32, #tpu.memory_space<vmem>>
    %dma_start3A_38 = tpu.memref_squeeze %dma_start3A_37 : memref<1x1x128xi32, #tpu.memory_space<vmem>> -> memref<128xi32, #tpu.memory_space<vmem>>
    %dma_start3A_39 = arith.constant 0 : i32
    %dma_start3A_40 = arith.constant 0 : i32
    %dma_start3A_41 = tpu.memref_slice %arg2[%dma_start3A_39, %dma_start3A_40] : memref<2700000x32xf32, #tpu.memory_space<hbm>> -> memref<2700000x32xf32, #tpu.memory_space<hbm>>
    tpu.enqueue_indirect_dma source(%dma_start3A_41 : memref<2700000x32xf32, #tpu.memory_space<hbm>>) target(%dma_start3A_35 : memref<128x32xf32, #tpu.memory_space<vmem>>) offsets(%dma_start3A_38 : memref<128xi32, #tpu.memory_space<vmem>>) semaphore(%arg10 : memref<!tpu.dma_semaphore, #tpu.memory_space<semaphore_mem>>)
    %dma_start3A_42 = arith.constant 1 : i32
    %dma_start3A_43 = arith.constant 0 : i32
    %dma_start3A_44 = arith.constant 128 : i32
    %dma_start3A_45 = arith.constant 0 : i32
    %dma_start3A_46 = tpu.memref_slice %arg8[%dma_start3A_44, %dma_start3A_45] : memref<384x32xf32, #tpu.memory_space<vmem>> -> memref<128x32xf32, #tpu.memory_space<vmem>>
    %dma_start3A_47 = arith.constant 0 : i32
    %dma_start3A_48 = tpu.memref_slice %arg6[%dma_start3A_42, %dma_start3A_43, %dma_start3A_47] : memref<3x2x128xi32, #tpu.memory_space<vmem>> -> memref<1x1x128xi32, #tpu.memory_space<vmem>>
    %dma_start3A_49 = tpu.memref_squeeze %dma_start3A_48 : memref<1x1x128xi32, #tpu.memory_space<vmem>> -> memref<128xi32, #tpu.memory_space<vmem>>
    %dma_start3A_50 = arith.constant 0 : i32
    %dma_start3A_51 = arith.constant 0 : i32
    %dma_start3A_52 = tpu.memref_slice %arg2[%dma_start3A_50, %dma_start3A_51] : memref<2700000x32xf32, #tpu.memory_space<hbm>> -> memref<2700000x32xf32, #tpu.memory_space<hbm>>
    tpu.enqueue_indirect_dma source(%dma_start3A_52 : memref<2700000x32xf32, #tpu.memory_space<hbm>>) target(%dma_start3A_46 : memref<128x32xf32, #tpu.memory_space<vmem>>) offsets(%dma_start3A_49 : memref<128xi32, #tpu.memory_space<vmem>>) semaphore(%arg10 : memref<!tpu.dma_semaphore, #tpu.memory_space<semaphore_mem>>)
    %dma_start3A_53 = arith.constant 2 : i32
    %dma_start3A_54 = arith.constant 0 : i32
    %dma_start3A_55 = arith.constant 256 : i32
    %dma_start3A_56 = arith.constant 0 : i32
    %dma_start3A_57 = tpu.memref_slice %arg8[%dma_start3A_55, %dma_start3A_56] : memref<384x32xf32, #tpu.memory_space<vmem>> -> memref<128x32xf32, #tpu.memory_space<vmem>>
    %dma_start3A_58 = arith.constant 0 : i32
    %dma_start3A_59 = tpu.memref_slice %arg6[%dma_start3A_53, %dma_start3A_54, %dma_start3A_58] : memref<3x2x128xi32, #tpu.memory_space<vmem>> -> memref<1x1x128xi32, #tpu.memory_space<vmem>>
    %dma_start3A_60 = tpu.memref_squeeze %dma_start3A_59 : memref<1x1x128xi32, #tpu.memory_space<vmem>> -> memref<128xi32, #tpu.memory_space<vmem>>
    %dma_start3A_61 = arith.constant 0 : i32
    %dma_start3A_62 = arith.constant 0 : i32
    %dma_start3A_63 = tpu.memref_slice %arg2[%dma_start3A_61, %dma_start3A_62] : memref<2700000x32xf32, #tpu.memory_space<hbm>> -> memref<2700000x32xf32, #tpu.memory_space<hbm>>
    tpu.enqueue_indirect_dma source(%dma_start3A_63 : memref<2700000x32xf32, #tpu.memory_space<hbm>>) target(%dma_start3A_57 : memref<128x32xf32, #tpu.memory_space<vmem>>) offsets(%dma_start3A_60 : memref<128xi32, #tpu.memory_space<vmem>>) semaphore(%arg10 : memref<!tpu.dma_semaphore, #tpu.memory_space<semaphore_mem>>)
    %scan3A_64 = arith.constant 0 : i32
    %scan3A_65 = arith.constant 0 : i32
    %scan3A_66 = arith.constant 44 : i32
    %scan3A_67 = arith.addi %scan3A_65, %scan3A_66 : i32
    %scan3A_68 = arith.constant 1 : i32
    %scan3A_69 = scf.for %scan3A_119 = %scan3A_65 to %scan3A_67 step %scan3A_68 iter_args(%scan3A_120 = %scan3A_64) -> (i32)  : i32 {
      %mul3A_121 = arith.constant 2 : i32
      %mul3A_122 = arith.muli %mul3A_121, %scan3A_119 : i32
      %add3A_123 = arith.constant 0 : i32
      %add3A_124 = arith.addi %mul3A_122, %add3A_123 : i32
      %dma_wait3A_125 = arith.constant 0 : i32
      %dma_wait3A_126 = arith.constant 0 : i32
      %dma_wait3A_127 = arith.constant 0 : i32
      %dma_wait3A_128 = arith.constant 0 : i32
      %dma_wait3A_129 = tpu.memref_slice %arg8[%dma_wait3A_127, %dma_wait3A_128] : memref<384x32xf32, #tpu.memory_space<vmem>> -> memref<128x32xf32, #tpu.memory_space<vmem>>
      %dma_wait3A_130 = arith.constant 0 : i32
      %dma_wait3A_131 = tpu.memref_slice %arg6[%dma_wait3A_125, %dma_wait3A_126, %dma_wait3A_130] : memref<3x2x128xi32, #tpu.memory_space<vmem>> -> memref<1x1x128xi32, #tpu.memory_space<vmem>>
      %dma_wait3A_132 = tpu.memref_squeeze %dma_wait3A_131 : memref<1x1x128xi32, #tpu.memory_space<vmem>> -> memref<128xi32, #tpu.memory_space<vmem>>
      %dma_wait3A_133 = arith.constant 0 : i32
      %dma_wait3A_134 = arith.constant 0 : i32
      %dma_wait3A_135 = tpu.memref_slice %arg2[%dma_wait3A_133, %dma_wait3A_134] : memref<2700000x32xf32, #tpu.memory_space<hbm>> -> memref<2700000x32xf32, #tpu.memory_space<hbm>>
      tpu.wait_indirect_dma semaphore(%arg10 : memref<!tpu.dma_semaphore, #tpu.memory_space<semaphore_mem>>) src(%dma_wait3A_135 : memref<2700000x32xf32, #tpu.memory_space<hbm>>) dst(%dma_wait3A_129 : memref<128x32xf32, #tpu.memory_space<vmem>>)
      %dma_wait3A_136 = arith.constant 1 : i32
      %dma_wait3A_137 = arith.constant 0 : i32
      %dma_wait3A_138 = arith.constant 128 : i32
      %dma_wait3A_139 = arith.constant 0 : i32
      %dma_wait3A_140 = tpu.memref_slice %arg8[%dma_wait3A_138, %dma_wait3A_139] : memref<384x32xf32, #tpu.memory_space<vmem>> -> memref<128x32xf32, #tpu.memory_space<vmem>>
      %dma_wait3A_141 = arith.constant 0 : i32
      %dma_wait3A_142 = tpu.memref_slice %arg6[%dma_wait3A_136, %dma_wait3A_137, %dma_wait3A_141] : memref<3x2x128xi32, #tpu.memory_space<vmem>> -> memref<1x1x128xi32, #tpu.memory_space<vmem>>
      %dma_wait3A_143 = tpu.memref_squeeze %dma_wait3A_142 : memref<1x1x128xi32, #tpu.memory_space<vmem>> -> memref<128xi32, #tpu.memory_space<vmem>>
      %dma_wait3A_144 = arith.constant 0 : i32
      %dma_wait3A_145 = arith.constant 0 : i32
      %dma_wait3A_146 = tpu.memref_slice %arg2[%dma_wait3A_144, %dma_wait3A_145] : memref<2700000x32xf32, #tpu.memory_space<hbm>> -> memref<2700000x32xf32, #tpu.memory_space<hbm>>
      tpu.wait_indirect_dma semaphore(%arg10 : memref<!tpu.dma_semaphore, #tpu.memory_space<semaphore_mem>>) src(%dma_wait3A_146 : memref<2700000x32xf32, #tpu.memory_space<hbm>>) dst(%dma_wait3A_140 : memref<128x32xf32, #tpu.memory_space<vmem>>)
      %dma_wait3A_147 = arith.constant 2 : i32
      %dma_wait3A_148 = arith.constant 0 : i32
      %dma_wait3A_149 = arith.constant 256 : i32
      %dma_wait3A_150 = arith.constant 0 : i32
      %dma_wait3A_151 = tpu.memref_slice %arg8[%dma_wait3A_149, %dma_wait3A_150] : memref<384x32xf32, #tpu.memory_space<vmem>> -> memref<128x32xf32, #tpu.memory_space<vmem>>
      %dma_wait3A_152 = arith.constant 0 : i32
      %dma_wait3A_153 = tpu.memref_slice %arg6[%dma_wait3A_147, %dma_wait3A_148, %dma_wait3A_152] : memref<3x2x128xi32, #tpu.memory_space<vmem>> -> memref<1x1x128xi32, #tpu.memory_space<vmem>>
      %dma_wait3A_154 = tpu.memref_squeeze %dma_wait3A_153 : memref<1x1x128xi32, #tpu.memory_space<vmem>> -> memref<128xi32, #tpu.memory_space<vmem>>
      %dma_wait3A_155 = arith.constant 0 : i32
      %dma_wait3A_156 = arith.constant 0 : i32
      %dma_wait3A_157 = tpu.memref_slice %arg2[%dma_wait3A_155, %dma_wait3A_156] : memref<2700000x32xf32, #tpu.memory_space<hbm>> -> memref<2700000x32xf32, #tpu.memory_space<hbm>>
      tpu.wait_indirect_dma semaphore(%arg10 : memref<!tpu.dma_semaphore, #tpu.memory_space<semaphore_mem>>) src(%dma_wait3A_157 : memref<2700000x32xf32, #tpu.memory_space<hbm>>) dst(%dma_wait3A_151 : memref<128x32xf32, #tpu.memory_space<vmem>>)
      %scan3A_158 = arith.constant 0 : i32
      %scan3A_159 = arith.constant 0 : i32
      %scan3A_160 = arith.constant 384 : i32
      %scan3A_161 = arith.addi %scan3A_159, %scan3A_160 : i32
      %scan3A_162 = arith.constant 1 : i32
      %scan3A_163 = scf.for %scan3A_306 = %scan3A_159 to %scan3A_161 step %scan3A_162 iter_args(%scan3A_307 = %scan3A_158) -> (i32)  : i32 {
        %get3A = arith.index_cast %scan3A_306 : i32 to index
        %get3A_308 = arith.constant 0 : index
        %get3A_309 = tpu.vector_load %arg8[%get3A, %get3A_308] {strides = array<i32>} : memref<384x32xf32, #tpu.memory_space<vmem>>, vector<1x16xf32>,
        %get3A_310 = vector.shape_cast %get3A_309 : vector<1x16xf32> to vector<16xf32>
        %get3A_311 = arith.index_cast %scan3A_306 : i32 to index
        %get3A_312 = arith.constant 16 : index
        %get3A_313 = tpu.vector_load %arg8[%get3A_311, %get3A_312] {strides = array<i32>} : memref<384x32xf32, #tpu.memory_space<vmem>>, vector<1x16xf32>,
        %get3A_314 = vector.shape_cast %get3A_313 : vector<1x16xf32> to vector<16xf32>
        %stack3A = vector.shape_cast %get3A_310 : vector<16xf32> to vector<1x16xf32>
        %stack3A_315 = vector.shape_cast %get3A_314 : vector<16xf32> to vector<1x16xf32>
        %stack3A_316 = tpu.concatenate %stack3A, %stack3A_315 in 0 : vector<1x16xf32>, vector<1x16xf32> -> vector<2x16xf32>
        %convert_element_type3A_317 = arith.truncf %stack3A_316 : vector<2x16xf32> to vector<2x16xbf16>
        %reshape3A = vector.shape_cast %convert_element_type3A_317 : vector<2x16xbf16> to vector<32xbf16>
        %swap3A = arith.constant 0 : i32
        %swap3A_318 = arith.index_cast %swap3A : i32 to index
        %swap3A_319 = arith.index_cast %scan3A_306 : i32 to index
        %swap3A_320 = arith.constant 0 : index
        %swap3A_321 = tpu.vector_load %arg9[%swap3A_318, %swap3A_319, %swap3A_320] {strides = array<i32>} : memref<2x384x32xbf16, #tpu.memory_space<vmem>>, vector<1x1x32xbf16>,
        %swap3A_322 = vector.shape_cast %swap3A_321 : vector<1x1x32xbf16> to vector<32xbf16>
        %swap3A_323 = vector.shape_cast %reshape3A : vector<32xbf16> to vector<1x1x32xbf16>
        tpu.vector_store %arg9[%swap3A_318, %swap3A_319, %swap3A_320], %swap3A_323 {strides = array<i32>} : memref<2x384x32xbf16, #tpu.memory_space<vmem>>, vector<1x1x32xbf16>,
        %scan3A_324 = arith.constant 0 : i32
        scf.yield %scan3A_324 : i32
      }
      %scan3A_164 = arith.constant 384 : i32
      %gt3A = arith.constant 0 : i32
      %gt3A_165 = arith.cmpi sgt, %add3A_124, %gt3A : i32
      %convert_element_type3A_166 = arith.extui %gt3A_165 : i1 to i32
      %cond3A_167 = arith.constant 0 : i32
      %cond3A_168 = arith.cmpi ne, %convert_element_type3A_166, %cond3A_167 : i32
      scf.if %cond3A_168 {
        %dma_wait3A_306 = arith.constant 1 : i32
        %dma_wait3A_307 = arith.constant 1 : i32
        %dma_wait3A_308 = arith.constant 0 : i32
        %dma_wait3A_309 = arith.constant 0 : i32
        %dma_wait3A_310 = arith.constant 0 : i32
        %dma_wait3A_311 = tpu.memref_slice %arg9[%dma_wait3A_306, %dma_wait3A_309, %dma_wait3A_310] : memref<2x384x32xbf16, #tpu.memory_space<vmem>> -> memref<1x128x32xbf16, #tpu.memory_space<vmem>>
        %dma_wait3A_312 = tpu.memref_squeeze %dma_wait3A_311 : memref<1x128x32xbf16, #tpu.memory_space<vmem>> -> memref<128x32xbf16, #tpu.memory_space<vmem>>
        %dma_wait3A_313 = arith.constant 0 : i32
        %dma_wait3A_314 = tpu.memref_slice %arg7[%dma_wait3A_307, %dma_wait3A_308, %dma_wait3A_313] : memref<2x3x128xi32, #tpu.memory_space<vmem>> -> memref<1x1x128xi32, #tpu.memory_space<vmem>>
        %dma_wait3A_315 = tpu.memref_squeeze %dma_wait3A_314 : memref<1x1x128xi32, #tpu.memory_space<vmem>> -> memref<128xi32, #tpu.memory_space<vmem>>
        %dma_wait3A_316 = arith.constant 0 : i32
        %dma_wait3A_317 = arith.constant 0 : i32
        %dma_wait3A_318 = tpu.memref_slice %arg5[%dma_wait3A_316, %dma_wait3A_317] : memref<100360x32xbf16, #tpu.memory_space<vmem_shared>> -> memref<100360x32xbf16, #tpu.memory_space<vmem_shared>>
        tpu.wait_indirect_dma semaphore(%arg11 : memref<!tpu.dma_semaphore, #tpu.memory_space<semaphore_mem>>) src(%dma_wait3A_312 : memref<128x32xbf16, #tpu.memory_space<vmem>>) dst(%dma_wait3A_318 : memref<100360x32xbf16, #tpu.memory_space<vmem_shared>>)
        %dma_wait3A_319 = arith.constant 1 : i32
        %dma_wait3A_320 = arith.constant 1 : i32
        %dma_wait3A_321 = arith.constant 1 : i32
        %dma_wait3A_322 = arith.constant 128 : i32
        %dma_wait3A_323 = arith.constant 0 : i32
        %dma_wait3A_324 = tpu.memref_slice %arg9[%dma_wait3A_319, %dma_wait3A_322, %dma_wait3A_323] : memref<2x384x32xbf16, #tpu.memory_space<vmem>> -> memref<1x128x32xbf16, #tpu.memory_space<vmem>>
        %dma_wait3A_325 = tpu.memref_squeeze %dma_wait3A_324 : memref<1x128x32xbf16, #tpu.memory_space<vmem>> -> memref<128x32xbf16, #tpu.memory_space<vmem>>
        %dma_wait3A_326 = arith.constant 0 : i32
        %dma_wait3A_327 = tpu.memref_slice %arg7[%dma_wait3A_320, %dma_wait3A_321, %dma_wait3A_326] : memref<2x3x128xi32, #tpu.memory_space<vmem>> -> memref<1x1x128xi32, #tpu.memory_space<vmem>>
        %dma_wait3A_328 = tpu.memref_squeeze %dma_wait3A_327 : memref<1x1x128xi32, #tpu.memory_space<vmem>> -> memref<128xi32, #tpu.memory_space<vmem>>
        %dma_wait3A_329 = arith.constant 0 : i32
        %dma_wait3A_330 = arith.constant 0 : i32
        %dma_wait3A_331 = tpu.memref_slice %arg5[%dma_wait3A_329, %dma_wait3A_330] : memref<100360x32xbf16, #tpu.memory_space<vmem_shared>> -> memref<100360x32xbf16, #tpu.memory_space<vmem_shared>>
        tpu.wait_indirect_dma semaphore(%arg11 : memref<!tpu.dma_semaphore, #tpu.memory_space<semaphore_mem>>) src(%dma_wait3A_325 : memref<128x32xbf16, #tpu.memory_space<vmem>>) dst(%dma_wait3A_331 : memref<100360x32xbf16, #tpu.memory_space<vmem_shared>>)
        %dma_wait3A_332 = arith.constant 1 : i32
        %dma_wait3A_333 = arith.constant 1 : i32
        %dma_wait3A_334 = arith.constant 2 : i32
        %dma_wait3A_335 = arith.constant 256 : i32
        %dma_wait3A_336 = arith.constant 0 : i32
        %dma_wait3A_337 = tpu.memref_slice %arg9[%dma_wait3A_332, %dma_wait3A_335, %dma_wait3A_336] : memref<2x384x32xbf16, #tpu.memory_space<vmem>> -> memref<1x128x32xbf16, #tpu.memory_space<vmem>>
        %dma_wait3A_338 = tpu.memref_squeeze %dma_wait3A_337 : memref<1x128x32xbf16, #tpu.memory_space<vmem>> -> memref<128x32xbf16, #tpu.memory_space<vmem>>
        %dma_wait3A_339 = arith.constant 0 : i32
        %dma_wait3A_340 = tpu.memref_slice %arg7[%dma_wait3A_333, %dma_wait3A_334, %dma_wait3A_339] : memref<2x3x128xi32, #tpu.memory_space<vmem>> -> memref<1x1x128xi32, #tpu.memory_space<vmem>>
        %dma_wait3A_341 = tpu.memref_squeeze %dma_wait3A_340 : memref<1x1x128xi32, #tpu.memory_space<vmem>> -> memref<128xi32, #tpu.memory_space<vmem>>
        %dma_wait3A_342 = arith.constant 0 : i32
        %dma_wait3A_343 = arith.constant 0 : i32
        %dma_wait3A_344 = tpu.memref_slice %arg5[%dma_wait3A_342, %dma_wait3A_343] : memref<100360x32xbf16, #tpu.memory_space<vmem_shared>> -> memref<100360x32xbf16, #tpu.memory_space<vmem_shared>>
        tpu.wait_indirect_dma semaphore(%arg11 : memref<!tpu.dma_semaphore, #tpu.memory_space<semaphore_mem>>) src(%dma_wait3A_338 : memref<128x32xbf16, #tpu.memory_space<vmem>>) dst(%dma_wait3A_344 : memref<100360x32xbf16, #tpu.memory_space<vmem_shared>>)
      } else {
      }
      %lt3A = arith.constant 87 : i32
      %lt3A_169 = arith.cmpi slt, %add3A_124, %lt3A : i32
      %convert_element_type3A_170 = arith.extui %lt3A_169 : i1 to i32
      %cond3A_171 = arith.constant 0 : i32
      %cond3A_172 = arith.cmpi ne, %convert_element_type3A_170, %cond3A_171 : i32
      scf.if %cond3A_172 {
        %add3A_306 = arith.constant 1 : i32
        %add3A_307 = arith.addi %add3A_124, %add3A_306 : i32
        %mul3A_308 = arith.constant 264 : i32
        %mul3A_309 = arith.muli %arg1, %mul3A_308 : i32
        %mul3A_310 = arith.constant 3 : i32
        %mul3A_311 = arith.muli %add3A_307, %mul3A_310 : i32
        %add3A_312 = arith.addi %mul3A_309, %mul3A_311 : i32
        "tpu.region"() ({
          %run_scoped3A_353 = tpu.sem_alloc : memref<!tpu.dma_semaphore, #tpu.memory_space<semaphore_mem>>
          %dma_start3A_354 = arith.constant 0 : i32
          %dma_start3A_355 = arith.constant 0 : i32
          %dma_start3A_356 = tpu.memref_slice %arg3[%add3A_312, %dma_start3A_354, %dma_start3A_355] : memref<4224x2x128xi32, #tpu.memory_space<hbm>> -> memref<3x2x128xi32, #tpu.memory_space<hbm>>
          %dma_start3A_357 = arith.constant 0 : i32
          %dma_start3A_358 = arith.constant 0 : i32
          %dma_start3A_359 = tpu.memref_slice %arg3[%add3A_312, %dma_start3A_357, %dma_start3A_358] : memref<4224x2x128xi32, #tpu.memory_space<hbm>> -> memref<3x2x128xi32, #tpu.memory_space<hbm>>
          tpu.enqueue_dma source(%dma_start3A_359 : memref<3x2x128xi32, #tpu.memory_space<hbm>>) target(%arg6 : memref<3x2x128xi32, #tpu.memory_space<vmem>>) target_semaphore(%run_scoped3A_353 : memref<!tpu.dma_semaphore, #tpu.memory_space<semaphore_mem>>)
          %dma_wait3A_360 = arith.constant 0 : i32
          %dma_wait3A_361 = arith.constant 0 : i32
          %dma_wait3A_362 = tpu.memref_slice %arg3[%add3A_312, %dma_wait3A_360, %dma_wait3A_361] : memref<4224x2x128xi32, #tpu.memory_space<hbm>> -> memref<3x2x128xi32, #tpu.memory_space<hbm>>
          %dma_wait3A_363 = arith.constant 0 : i32
          %dma_wait3A_364 = arith.constant 0 : i32
          %dma_wait3A_365 = tpu.memref_slice %arg3[%add3A_312, %dma_wait3A_363, %dma_wait3A_364] : memref<4224x2x128xi32, #tpu.memory_space<hbm>> -> memref<3x2x128xi32, #tpu.memory_space<hbm>>
          tpu.wait_dma2 semaphore(%run_scoped3A_353 : memref<!tpu.dma_semaphore, #tpu.memory_space<semaphore_mem>>) src(%dma_wait3A_365 : memref<3x2x128xi32, #tpu.memory_space<hbm>>) dst(%arg6 : memref<3x2x128xi32, #tpu.memory_space<vmem>>)
          tpu.yield
        }) : () -> ()
        %scan3A_313 = arith.constant 0 : i32
        %scan3A_314 = arith.constant 0 : i32
        %scan3A_315 = arith.constant 3 : i32
        %scan3A_316 = arith.addi %scan3A_314, %scan3A_315 : i32
        %scan3A_317 = arith.constant 1 : i32
        %scan3A_318 = scf.for %scan3A_353 = %scan3A_314 to %scan3A_316 step %scan3A_317 iter_args(%scan3A_354 = %scan3A_313) -> (i32)  : i32 {
          %get3A = arith.constant 1 : i32
          %get3A_355 = arith.index_cast %scan3A_353 : i32 to index
          %get3A_356 = arith.index_cast %get3A : i32 to index
          %get3A_357 = arith.constant 0 : index
          %get3A_358 = tpu.vector_load %arg6[%get3A_355, %get3A_356, %get3A_357] {strides = array<i32>} : memref<3x2x128xi32, #tpu.memory_space<vmem>>, vector<1x1x16xi32>,
          %get3A_359 = vector.shape_cast %get3A_358 : vector<1x1x16xi32> to vector<16xi32>
          %sub3A = vector.broadcast %mul3A_3 : i32 to vector<16xi32>
          %sub3A_360 = arith.subi %get3A_359, %sub3A : vector<16xi32>
          %ge3A = arith.constant 0 : i32
          %ge3A_361 = vector.broadcast %ge3A : i32 to vector<16xi32>
          %ge3A_362 = arith.cmpi sge, %sub3A_360, %ge3A_361 : vector<16xi32>
          %lt3A_363 = arith.constant 100352 : i32
          %lt3A_364 = vector.broadcast %lt3A_363 : i32 to vector<16xi32>
          %lt3A_365 = arith.cmpi slt, %sub3A_360, %lt3A_364 : vector<16xi32>
          %and3A_366 = arith.andi %ge3A_362, %lt3A_365 : vector<16xi1>
          %jit3A = arith.constant 100352 : i32
          %broadcast_in_dim3A = vector.broadcast %jit3A : i32 to vector<16xi32>
          %select_n3A = arith.select %and3A_366, %sub3A_360, %broadcast_in_dim3A : vector<16xi1>, vector<16xi32>
          %swap3A = arith.constant 1 : i32
          %swap3A_367 = arith.index_cast %swap3A : i32 to index
          %swap3A_368 = arith.index_cast %scan3A_353 : i32 to index
          %swap3A_369 = arith.constant 0 : index
          %swap3A_370 = tpu.vector_load %arg7[%swap3A_367, %swap3A_368, %swap3A_369] {strides = array<i32>} : memref<2x3x128xi32, #tpu.memory_space<vmem>>, vector<1x1x16xi32>,
          %swap3A_371 = vector.shape_cast %swap3A_370 : vector<1x1x16xi32> to vector<16xi32>
          %swap3A_372 = vector.shape_cast %select_n3A : vector<16xi32> to vector<1x1x16xi32>
          tpu.vector_store %arg7[%swap3A_367, %swap3A_368, %swap3A_369], %swap3A_372 {strides = array<i32>} : memref<2x3x128xi32, #tpu.memory_space<vmem>>, vector<1x1x16xi32>,
          %get3A_373 = arith.constant 1 : i32
          %get3A_374 = arith.index_cast %scan3A_353 : i32 to index
          %get3A_375 = arith.index_cast %get3A_373 : i32 to index
          %get3A_376 = arith.constant 16 : index
          %get3A_377 = tpu.vector_load %arg6[%get3A_374, %get3A_375, %get3A_376] {strides = array<i32>} : memref<3x2x128xi32, #tpu.memory_space<vmem>>, vector<1x1x16xi32>,
          %get3A_378 = vector.shape_cast %get3A_377 : vector<1x1x16xi32> to vector<16xi32>
          %sub3A_379 = vector.broadcast %mul3A_3 : i32 to vector<16xi32>
          %sub3A_380 = arith.subi %get3A_378, %sub3A_379 : vector<16xi32>
          %ge3A_381 = arith.constant 0 : i32
          %ge3A_382 = vector.broadcast %ge3A_381 : i32 to vector<16xi32>
          %ge3A_383 = arith.cmpi sge, %sub3A_380, %ge3A_382 : vector<16xi32>
          %lt3A_384 = arith.constant 100352 : i32
          %lt3A_385 = vector.broadcast %lt3A_384 : i32 to vector<16xi32>
          %lt3A_386 = arith.cmpi slt, %sub3A_380, %lt3A_385 : vector<16xi32>
          %and3A_387 = arith.andi %ge3A_383, %lt3A_386 : vector<16xi1>
          %jit3A_388 = arith.constant 100352 : i32
          %broadcast_in_dim3A_389 = vector.broadcast %jit3A_388 : i32 to vector<16xi32>
          %select_n3A_390 = arith.select %and3A_387, %sub3A_380, %broadcast_in_dim3A_389 : vector<16xi1>, vector<16xi32>
          %swap3A_391 = arith.constant 1 : i32
          %swap3A_392 = arith.index_cast %swap3A_391 : i32 to index
          %swap3A_393 = arith.index_cast %scan3A_353 : i32 to index
          %swap3A_394 = arith.constant 16 : index
          %swap3A_395 = tpu.vector_load %arg7[%swap3A_392, %swap3A_393, %swap3A_394] {strides = array<i32>} : memref<2x3x128xi32, #tpu.memory_space<vmem>>, vector<1x1x16xi32>,
          %swap3A_396 = vector.shape_cast %swap3A_395 : vector<1x1x16xi32> to vector<16xi32>
          %swap3A_397 = vector.shape_cast %select_n3A_390 : vector<16xi32> to vector<1x1x16xi32>
          tpu.vector_store %arg7[%swap3A_392, %swap3A_393, %swap3A_394], %swap3A_397 {strides = array<i32>} : memref<2x3x128xi32, #tpu.memory_space<vmem>>, vector<1x1x16xi32>,
          %get3A_398 = arith.constant 1 : i32
          %get3A_399 = arith.index_cast %scan3A_353 : i32 to index
          %get3A_400 = arith.index_cast %get3A_398 : i32 to index
          %get3A_401 = arith.constant 32 : index
          %get3A_402 = tpu.vector_load %arg6[%get3A_399, %get3A_400, %get3A_401] {strides = array<i32>} : memref<3x2x128xi32, #tpu.memory_space<vmem>>, vector<1x1x16xi32>,
          %get3A_403 = vector.shape_cast %get3A_402 : vector<1x1x16xi32> to vector<16xi32>
          %sub3A_404 = vector.broadcast %mul3A_3 : i32 to vector<16xi32>
          %sub3A_405 = arith.subi %get3A_403, %sub3A_404 : vector<16xi32>
          %ge3A_406 = arith.constant 0 : i32
          %ge3A_407 = vector.broadcast %ge3A_406 : i32 to vector<16xi32>
          %ge3A_408 = arith.cmpi sge, %sub3A_405, %ge3A_407 : vector<16xi32>
          %lt3A_409 = arith.constant 100352 : i32
          %lt3A_410 = vector.broadcast %lt3A_409 : i32 to vector<16xi32>
          %lt3A_411 = arith.cmpi slt, %sub3A_405, %lt3A_410 : vector<16xi32>
          %and3A_412 = arith.andi %ge3A_408, %lt3A_411 : vector<16xi1>
          %jit3A_413 = arith.constant 100352 : i32
          %broadcast_in_dim3A_414 = vector.broadcast %jit3A_413 : i32 to vector<16xi32>
          %select_n3A_415 = arith.select %and3A_412, %sub3A_405, %broadcast_in_dim3A_414 : vector<16xi1>, vector<16xi32>
          %swap3A_416 = arith.constant 1 : i32
          %swap3A_417 = arith.index_cast %swap3A_416 : i32 to index
          %swap3A_418 = arith.index_cast %scan3A_353 : i32 to index
          %swap3A_419 = arith.constant 32 : index
          %swap3A_420 = tpu.vector_load %arg7[%swap3A_417, %swap3A_418, %swap3A_419] {strides = array<i32>} : memref<2x3x128xi32, #tpu.memory_space<vmem>>, vector<1x1x16xi32>,
          %swap3A_421 = vector.shape_cast %swap3A_420 : vector<1x1x16xi32> to vector<16xi32>
          %swap3A_422 = vector.shape_cast %select_n3A_415 : vector<16xi32> to vector<1x1x16xi32>
          tpu.vector_store %arg7[%swap3A_417, %swap3A_418, %swap3A_419], %swap3A_422 {strides = array<i32>} : memref<2x3x128xi32, #tpu.memory_space<vmem>>, vector<1x1x16xi32>,
          %get3A_423 = arith.constant 1 : i32
          %get3A_424 = arith.index_cast %scan3A_353 : i32 to index
          %get3A_425 = arith.index_cast %get3A_423 : i32 to index
          %get3A_426 = arith.constant 48 : index
          %get3A_427 = tpu.vector_load %arg6[%get3A_424, %get3A_425, %get3A_426] {strides = array<i32>} : memref<3x2x128xi32, #tpu.memory_space<vmem>>, vector<1x1x16xi32>,
          %get3A_428 = vector.shape_cast %get3A_427 : vector<1x1x16xi32> to vector<16xi32>
          %sub3A_429 = vector.broadcast %mul3A_3 : i32 to vector<16xi32>
          %sub3A_430 = arith.subi %get3A_428, %sub3A_429 : vector<16xi32>
          %ge3A_431 = arith.constant 0 : i32
          %ge3A_432 = vector.broadcast %ge3A_431 : i32 to vector<16xi32>
          %ge3A_433 = arith.cmpi sge, %sub3A_430, %ge3A_432 : vector<16xi32>
          %lt3A_434 = arith.constant 100352 : i32
          %lt3A_435 = vector.broadcast %lt3A_434 : i32 to vector<16xi32>
          %lt3A_436 = arith.cmpi slt, %sub3A_430, %lt3A_435 : vector<16xi32>
          %and3A_437 = arith.andi %ge3A_433, %lt3A_436 : vector<16xi1>
          %jit3A_438 = arith.constant 100352 : i32
          %broadcast_in_dim3A_439 = vector.broadcast %jit3A_438 : i32 to vector<16xi32>
          %select_n3A_440 = arith.select %and3A_437, %sub3A_430, %broadcast_in_dim3A_439 : vector<16xi1>, vector<16xi32>
          %swap3A_441 = arith.constant 1 : i32
          %swap3A_442 = arith.index_cast %swap3A_441 : i32 to index
          %swap3A_443 = arith.index_cast %scan3A_353 : i32 to index
          %swap3A_444 = arith.constant 48 : index
          %swap3A_445 = tpu.vector_load %arg7[%swap3A_442, %swap3A_443, %swap3A_444] {strides = array<i32>} : memref<2x3x128xi32, #tpu.memory_space<vmem>>, vector<1x1x16xi32>,
          %swap3A_446 = vector.shape_cast %swap3A_445 : vector<1x1x16xi32> to vector<16xi32>
          %swap3A_447 = vector.shape_cast %select_n3A_440 : vector<16xi32> to vector<1x1x16xi32>
          tpu.vector_store %arg7[%swap3A_442, %swap3A_443, %swap3A_444], %swap3A_447 {strides = array<i32>} : memref<2x3x128xi32, #tpu.memory_space<vmem>>, vector<1x1x16xi32>,
          %get3A_448 = arith.constant 1 : i32
          %get3A_449 = arith.index_cast %scan3A_353 : i32 to index
          %get3A_450 = arith.index_cast %get3A_448 : i32 to index
          %get3A_451 = arith.constant 64 : index
          %get3A_452 = tpu.vector_load %arg6[%get3A_449, %get3A_450, %get3A_451] {strides = array<i32>} : memref<3x2x128xi32, #tpu.memory_space<vmem>>, vector<1x1x16xi32>,
          %get3A_453 = vector.shape_cast %get3A_452 : vector<1x1x16xi32> to vector<16xi32>
          %sub3A_454 = vector.broadcast %mul3A_3 : i32 to vector<16xi32>
          %sub3A_455 = arith.subi %get3A_453, %sub3A_454 : vector<16xi32>
          %ge3A_456 = arith.constant 0 : i32
          %ge3A_457 = vector.broadcast %ge3A_456 : i32 to vector<16xi32>
          %ge3A_458 = arith.cmpi sge, %sub3A_455, %ge3A_457 : vector<16xi32>
          %lt3A_459 = arith.constant 100352 : i32
          %lt3A_460 = vector.broadcast %lt3A_459 : i32 to vector<16xi32>
          %lt3A_461 = arith.cmpi slt, %sub3A_455, %lt3A_460 : vector<16xi32>
          %and3A_462 = arith.andi %ge3A_458, %lt3A_461 : vector<16xi1>
          %jit3A_463 = arith.constant 100352 : i32
          %broadcast_in_dim3A_464 = vector.broadcast %jit3A_463 : i32 to vector<16xi32>
          %select_n3A_465 = arith.select %and3A_462, %sub3A_455, %broadcast_in_dim3A_464 : vector<16xi1>, vector<16xi32>
          %swap3A_466 = arith.constant 1 : i32
          %swap3A_467 = arith.index_cast %swap3A_466 : i32 to index
          %swap3A_468 = arith.index_cast %scan3A_353 : i32 to index
          %swap3A_469 = arith.constant 64 : index
          %swap3A_470 = tpu.vector_load %arg7[%swap3A_467, %swap3A_468, %swap3A_469] {strides = array<i32>} : memref<2x3x128xi32, #tpu.memory_space<vmem>>, vector<1x1x16xi32>,
          %swap3A_471 = vector.shape_cast %swap3A_470 : vector<1x1x16xi32> to vector<16xi32>
          %swap3A_472 = vector.shape_cast %select_n3A_465 : vector<16xi32> to vector<1x1x16xi32>
          tpu.vector_store %arg7[%swap3A_467, %swap3A_468, %swap3A_469], %swap3A_472 {strides = array<i32>} : memref<2x3x128xi32, #tpu.memory_space<vmem>>, vector<1x1x16xi32>,
          %get3A_473 = arith.constant 1 : i32
          %get3A_474 = arith.index_cast %scan3A_353 : i32 to index
          %get3A_475 = arith.index_cast %get3A_473 : i32 to index
          %get3A_476 = arith.constant 80 : index
          %get3A_477 = tpu.vector_load %arg6[%get3A_474, %get3A_475, %get3A_476] {strides = array<i32>} : memref<3x2x128xi32, #tpu.memory_space<vmem>>, vector<1x1x16xi32>,
          %get3A_478 = vector.shape_cast %get3A_477 : vector<1x1x16xi32> to vector<16xi32>
          %sub3A_479 = vector.broadcast %mul3A_3 : i32 to vector<16xi32>
          %sub3A_480 = arith.subi %get3A_478, %sub3A_479 : vector<16xi32>
          %ge3A_481 = arith.constant 0 : i32
          %ge3A_482 = vector.broadcast %ge3A_481 : i32 to vector<16xi32>
          %ge3A_483 = arith.cmpi sge, %sub3A_480, %ge3A_482 : vector<16xi32>
          %lt3A_484 = arith.constant 100352 : i32
          %lt3A_485 = vector.broadcast %lt3A_484 : i32 to vector<16xi32>
          %lt3A_486 = arith.cmpi slt, %sub3A_480, %lt3A_485 : vector<16xi32>
          %and3A_487 = arith.andi %ge3A_483, %lt3A_486 : vector<16xi1>
          %jit3A_488 = arith.constant 100352 : i32
          %broadcast_in_dim3A_489 = vector.broadcast %jit3A_488 : i32 to vector<16xi32>
          %select_n3A_490 = arith.select %and3A_487, %sub3A_480, %broadcast_in_dim3A_489 : vector<16xi1>, vector<16xi32>
          %swap3A_491 = arith.constant 1 : i32
          %swap3A_492 = arith.index_cast %swap3A_491 : i32 to index
          %swap3A_493 = arith.index_cast %scan3A_353 : i32 to index
          %swap3A_494 = arith.constant 80 : index
          %swap3A_495 = tpu.vector_load %arg7[%swap3A_492, %swap3A_493, %swap3A_494] {strides = array<i32>} : memref<2x3x128xi32, #tpu.memory_space<vmem>>, vector<1x1x16xi32>,
          %swap3A_496 = vector.shape_cast %swap3A_495 : vector<1x1x16xi32> to vector<16xi32>
          %swap3A_497 = vector.shape_cast %select_n3A_490 : vector<16xi32> to vector<1x1x16xi32>
          tpu.vector_store %arg7[%swap3A_492, %swap3A_493, %swap3A_494], %swap3A_497 {strides = array<i32>} : memref<2x3x128xi32, #tpu.memory_space<vmem>>, vector<1x1x16xi32>,
          %get3A_498 = arith.constant 1 : i32
          %get3A_499 = arith.index_cast %scan3A_353 : i32 to index
          %get3A_500 = arith.index_cast %get3A_498 : i32 to index
          %get3A_501 = arith.constant 96 : index
          %get3A_502 = tpu.vector_load %arg6[%get3A_499, %get3A_500, %get3A_501] {strides = array<i32>} : memref<3x2x128xi32, #tpu.memory_space<vmem>>, vector<1x1x16xi32>,
          %get3A_503 = vector.shape_cast %get3A_502 : vector<1x1x16xi32> to vector<16xi32>
          %sub3A_504 = vector.broadcast %mul3A_3 : i32 to vector<16xi32>
          %sub3A_505 = arith.subi %get3A_503, %sub3A_504 : vector<16xi32>
          %ge3A_506 = arith.constant 0 : i32
          %ge3A_507 = vector.broadcast %ge3A_506 : i32 to vector<16xi32>
          %ge3A_508 = arith.cmpi sge, %sub3A_505, %ge3A_507 : vector<16xi32>
          %lt3A_509 = arith.constant 100352 : i32
          %lt3A_510 = vector.broadcast %lt3A_509 : i32 to vector<16xi32>
          %lt3A_511 = arith.cmpi slt, %sub3A_505, %lt3A_510 : vector<16xi32>
          %and3A_512 = arith.andi %ge3A_508, %lt3A_511 : vector<16xi1>
          %jit3A_513 = arith.constant 100352 : i32
          %broadcast_in_dim3A_514 = vector.broadcast %jit3A_513 : i32 to vector<16xi32>
          %select_n3A_515 = arith.select %and3A_512, %sub3A_505, %broadcast_in_dim3A_514 : vector<16xi1>, vector<16xi32>
          %swap3A_516 = arith.constant 1 : i32
          %swap3A_517 = arith.index_cast %swap3A_516 : i32 to index
          %swap3A_518 = arith.index_cast %scan3A_353 : i32 to index
          %swap3A_519 = arith.constant 96 : index
          %swap3A_520 = tpu.vector_load %arg7[%swap3A_517, %swap3A_518, %swap3A_519] {strides = array<i32>} : memref<2x3x128xi32, #tpu.memory_space<vmem>>, vector<1x1x16xi32>,
          %swap3A_521 = vector.shape_cast %swap3A_520 : vector<1x1x16xi32> to vector<16xi32>
          %swap3A_522 = vector.shape_cast %select_n3A_515 : vector<16xi32> to vector<1x1x16xi32>
          tpu.vector_store %arg7[%swap3A_517, %swap3A_518, %swap3A_519], %swap3A_522 {strides = array<i32>} : memref<2x3x128xi32, #tpu.memory_space<vmem>>, vector<1x1x16xi32>,
          %get3A_523 = arith.constant 1 : i32
          %get3A_524 = arith.index_cast %scan3A_353 : i32 to index
          %get3A_525 = arith.index_cast %get3A_523 : i32 to index
          %get3A_526 = arith.constant 112 : index
          %get3A_527 = tpu.vector_load %arg6[%get3A_524, %get3A_525, %get3A_526] {strides = array<i32>} : memref<3x2x128xi32, #tpu.memory_space<vmem>>, vector<1x1x16xi32>,
          %get3A_528 = vector.shape_cast %get3A_527 : vector<1x1x16xi32> to vector<16xi32>
          %sub3A_529 = vector.broadcast %mul3A_3 : i32 to vector<16xi32>
          %sub3A_530 = arith.subi %get3A_528, %sub3A_529 : vector<16xi32>
          %ge3A_531 = arith.constant 0 : i32
          %ge3A_532 = vector.broadcast %ge3A_531 : i32 to vector<16xi32>
          %ge3A_533 = arith.cmpi sge, %sub3A_530, %ge3A_532 : vector<16xi32>
          %lt3A_534 = arith.constant 100352 : i32
          %lt3A_535 = vector.broadcast %lt3A_534 : i32 to vector<16xi32>
          %lt3A_536 = arith.cmpi slt, %sub3A_530, %lt3A_535 : vector<16xi32>
          %and3A_537 = arith.andi %ge3A_533, %lt3A_536 : vector<16xi1>
          %jit3A_538 = arith.constant 100352 : i32
          %broadcast_in_dim3A_539 = vector.broadcast %jit3A_538 : i32 to vector<16xi32>
          %select_n3A_540 = arith.select %and3A_537, %sub3A_530, %broadcast_in_dim3A_539 : vector<16xi1>, vector<16xi32>
          %swap3A_541 = arith.constant 1 : i32
          %swap3A_542 = arith.index_cast %swap3A_541 : i32 to index
          %swap3A_543 = arith.index_cast %scan3A_353 : i32 to index
          %swap3A_544 = arith.constant 112 : index
          %swap3A_545 = tpu.vector_load %arg7[%swap3A_542, %swap3A_543, %swap3A_544] {strides = array<i32>} : memref<2x3x128xi32, #tpu.memory_space<vmem>>, vector<1x1x16xi32>,
          %swap3A_546 = vector.shape_cast %swap3A_545 : vector<1x1x16xi32> to vector<16xi32>
          %swap3A_547 = vector.shape_cast %select_n3A_540 : vector<16xi32> to vector<1x1x16xi32>
          tpu.vector_store %arg7[%swap3A_542, %swap3A_543, %swap3A_544], %swap3A_547 {strides = array<i32>} : memref<2x3x128xi32, #tpu.memory_space<vmem>>, vector<1x1x16xi32>,
          %scan3A_548 = arith.constant 0 : i32
          scf.yield %scan3A_548 : i32
        }
        %scan3A_319 = arith.constant 3 : i32
        %dma_start3A_320 = arith.constant 0 : i32
        %dma_start3A_321 = arith.constant 0 : i32
        %dma_start3A_322 = arith.constant 0 : i32
        %dma_start3A_323 = arith.constant 0 : i32
        %dma_start3A_324 = tpu.memref_slice %arg8[%dma_start3A_322, %dma_start3A_323] : memref<384x32xf32, #tpu.memory_space<vmem>> -> memref<128x32xf32, #tpu.memory_space<vmem>>
        %dma_start3A_325 = arith.constant 0 : i32
        %dma_start3A_326 = tpu.memref_slice %arg6[%dma_start3A_320, %dma_start3A_321, %dma_start3A_325] : memref<3x2x128xi32, #tpu.memory_space<vmem>> -> memref<1x1x128xi32, #tpu.memory_space<vmem>>
        %dma_start3A_327 = tpu.memref_squeeze %dma_start3A_326 : memref<1x1x128xi32, #tpu.memory_space<vmem>> -> memref<128xi32, #tpu.memory_space<vmem>>
        %dma_start3A_328 = arith.constant 0 : i32
        %dma_start3A_329 = arith.constant 0 : i32
        %dma_start3A_330 = tpu.memref_slice %arg2[%dma_start3A_328, %dma_start3A_329] : memref<2700000x32xf32, #tpu.memory_space<hbm>> -> memref<2700000x32xf32, #tpu.memory_space<hbm>>
        tpu.enqueue_indirect_dma source(%dma_start3A_330 : memref<2700000x32xf32, #tpu.memory_space<hbm>>) target(%dma_start3A_324 : memref<128x32xf32, #tpu.memory_space<vmem>>) offsets(%dma_start3A_327 : memref<128xi32, #tpu.memory_space<vmem>>) semaphore(%arg10 : memref<!tpu.dma_semaphore, #tpu.memory_space<semaphore_mem>>)
        %dma_start3A_331 = arith.constant 1 : i32
        %dma_start3A_332 = arith.constant 0 : i32
        %dma_start3A_333 = arith.constant 128 : i32
        %dma_start3A_334 = arith.constant 0 : i32
        %dma_start3A_335 = tpu.memref_slice %arg8[%dma_start3A_333, %dma_start3A_334] : memref<384x32xf32, #tpu.memory_space<vmem>> -> memref<128x32xf32, #tpu.memory_space<vmem>>
        %dma_start3A_336 = arith.constant 0 : i32
        %dma_start3A_337 = tpu.memref_slice %arg6[%dma_start3A_331, %dma_start3A_332, %dma_start3A_336] : memref<3x2x128xi32, #tpu.memory_space<vmem>> -> memref<1x1x128xi32, #tpu.memory_space<vmem>>
        %dma_start3A_338 = tpu.memref_squeeze %dma_start3A_337 : memref<1x1x128xi32, #tpu.memory_space<vmem>> -> memref<128xi32, #tpu.memory_space<vmem>>
        %dma_start3A_339 = arith.constant 0 : i32
        %dma_start3A_340 = arith.constant 0 : i32
        %dma_start3A_341 = tpu.memref_slice %arg2[%dma_start3A_339, %dma_start3A_340] : memref<2700000x32xf32, #tpu.memory_space<hbm>> -> memref<2700000x32xf32, #tpu.memory_space<hbm>>
        tpu.enqueue_indirect_dma source(%dma_start3A_341 : memref<2700000x32xf32, #tpu.memory_space<hbm>>) target(%dma_start3A_335 : memref<128x32xf32, #tpu.memory_space<vmem>>) offsets(%dma_start3A_338 : memref<128xi32, #tpu.memory_space<vmem>>) semaphore(%arg10 : memref<!tpu.dma_semaphore, #tpu.memory_space<semaphore_mem>>)
        %dma_start3A_342 = arith.constant 2 : i32
        %dma_start3A_343 = arith.constant 0 : i32
        %dma_start3A_344 = arith.constant 256 : i32
        %dma_start3A_345 = arith.constant 0 : i32
        %dma_start3A_346 = tpu.memref_slice %arg8[%dma_start3A_344, %dma_start3A_345] : memref<384x32xf32, #tpu.memory_space<vmem>> -> memref<128x32xf32, #tpu.memory_space<vmem>>
        %dma_start3A_347 = arith.constant 0 : i32
        %dma_start3A_348 = tpu.memref_slice %arg6[%dma_start3A_342, %dma_start3A_343, %dma_start3A_347] : memref<3x2x128xi32, #tpu.memory_space<vmem>> -> memref<1x1x128xi32, #tpu.memory_space<vmem>>
        %dma_start3A_349 = tpu.memref_squeeze %dma_start3A_348 : memref<1x1x128xi32, #tpu.memory_space<vmem>> -> memref<128xi32, #tpu.memory_space<vmem>>
        %dma_start3A_350 = arith.constant 0 : i32
        %dma_start3A_351 = arith.constant 0 : i32
        %dma_start3A_352 = tpu.memref_slice %arg2[%dma_start3A_350, %dma_start3A_351] : memref<2700000x32xf32, #tpu.memory_space<hbm>> -> memref<2700000x32xf32, #tpu.memory_space<hbm>>
        tpu.enqueue_indirect_dma source(%dma_start3A_352 : memref<2700000x32xf32, #tpu.memory_space<hbm>>) target(%dma_start3A_346 : memref<128x32xf32, #tpu.memory_space<vmem>>) offsets(%dma_start3A_349 : memref<128xi32, #tpu.memory_space<vmem>>) semaphore(%arg10 : memref<!tpu.dma_semaphore, #tpu.memory_space<semaphore_mem>>)
      } else {
      }
      %dma_start3A_173 = arith.constant 0 : i32
      %dma_start3A_174 = arith.constant 0 : i32
      %dma_start3A_175 = arith.constant 0 : i32
      %dma_start3A_176 = arith.constant 0 : i32
      %dma_start3A_177 = arith.constant 0 : i32
      %dma_start3A_178 = tpu.memref_slice %arg9[%dma_start3A_173, %dma_start3A_176, %dma_start3A_177] : memref<2x384x32xbf16, #tpu.memory_space<vmem>> -> memref<1x128x32xbf16, #tpu.memory_space<vmem>>
      %dma_start3A_179 = tpu.memref_squeeze %dma_start3A_178 : memref<1x128x32xbf16, #tpu.memory_space<vmem>> -> memref<128x32xbf16, #tpu.memory_space<vmem>>
      %dma_start3A_180 = arith.constant 0 : i32
      %dma_start3A_181 = tpu.memref_slice %arg7[%dma_start3A_174, %dma_start3A_175, %dma_start3A_180] : memref<2x3x128xi32, #tpu.memory_space<vmem>> -> memref<1x1x128xi32, #tpu.memory_space<vmem>>
      %dma_start3A_182 = tpu.memref_squeeze %dma_start3A_181 : memref<1x1x128xi32, #tpu.memory_space<vmem>> -> memref<128xi32, #tpu.memory_space<vmem>>
      %dma_start3A_183 = arith.constant 0 : i32
      %dma_start3A_184 = arith.constant 0 : i32
      %dma_start3A_185 = tpu.memref_slice %arg5[%dma_start3A_183, %dma_start3A_184] : memref<100360x32xbf16, #tpu.memory_space<vmem_shared>> -> memref<100360x32xbf16, #tpu.memory_space<vmem_shared>>
      tpu.enqueue_indirect_dma source(%dma_start3A_179 : memref<128x32xbf16, #tpu.memory_space<vmem>>) target(%dma_start3A_185 : memref<100360x32xbf16, #tpu.memory_space<vmem_shared>>) offsets(%dma_start3A_182 : memref<128xi32, #tpu.memory_space<vmem>>) semaphore(%arg11 : memref<!tpu.dma_semaphore, #tpu.memory_space<semaphore_mem>>) {add = true}
      %dma_start3A_186 = arith.constant 0 : i32
      %dma_start3A_187 = arith.constant 0 : i32
      %dma_start3A_188 = arith.constant 1 : i32
      %dma_start3A_189 = arith.constant 128 : i32
      %dma_start3A_190 = arith.constant 0 : i32
      %dma_start3A_191 = tpu.memref_slice %arg9[%dma_start3A_186, %dma_start3A_189, %dma_start3A_190] : memref<2x384x32xbf16, #tpu.memory_space<vmem>> -> memref<1x128x32xbf16, #tpu.memory_space<vmem>>
      %dma_start3A_192 = tpu.memref_squeeze %dma_start3A_191 : memref<1x128x32xbf16, #tpu.memory_space<vmem>> -> memref<128x32xbf16, #tpu.memory_space<vmem>>
      %dma_start3A_193 = arith.constant 0 : i32
      %dma_start3A_194 = tpu.memref_slice %arg7[%dma_start3A_187, %dma_start3A_188, %dma_start3A_193] : memref<2x3x128xi32, #tpu.memory_space<vmem>> -> memref<1x1x128xi32, #tpu.memory_space<vmem>>
      %dma_start3A_195 = tpu.memref_squeeze %dma_start3A_194 : memref<1x1x128xi32, #tpu.memory_space<vmem>> -> memref<128xi32, #tpu.memory_space<vmem>>
      %dma_start3A_196 = arith.constant 0 : i32
      %dma_start3A_197 = arith.constant 0 : i32
      %dma_start3A_198 = tpu.memref_slice %arg5[%dma_start3A_196, %dma_start3A_197] : memref<100360x32xbf16, #tpu.memory_space<vmem_shared>> -> memref<100360x32xbf16, #tpu.memory_space<vmem_shared>>
      tpu.enqueue_indirect_dma source(%dma_start3A_192 : memref<128x32xbf16, #tpu.memory_space<vmem>>) target(%dma_start3A_198 : memref<100360x32xbf16, #tpu.memory_space<vmem_shared>>) offsets(%dma_start3A_195 : memref<128xi32, #tpu.memory_space<vmem>>) semaphore(%arg11 : memref<!tpu.dma_semaphore, #tpu.memory_space<semaphore_mem>>) {add = true}
      %dma_start3A_199 = arith.constant 0 : i32
      %dma_start3A_200 = arith.constant 0 : i32
      %dma_start3A_201 = arith.constant 2 : i32
      %dma_start3A_202 = arith.constant 256 : i32
      %dma_start3A_203 = arith.constant 0 : i32
      %dma_start3A_204 = tpu.memref_slice %arg9[%dma_start3A_199, %dma_start3A_202, %dma_start3A_203] : memref<2x384x32xbf16, #tpu.memory_space<vmem>> -> memref<1x128x32xbf16, #tpu.memory_space<vmem>>
      %dma_start3A_205 = tpu.memref_squeeze %dma_start3A_204 : memref<1x128x32xbf16, #tpu.memory_space<vmem>> -> memref<128x32xbf16, #tpu.memory_space<vmem>>
      %dma_start3A_206 = arith.constant 0 : i32
      %dma_start3A_207 = tpu.memref_slice %arg7[%dma_start3A_200, %dma_start3A_201, %dma_start3A_206] : memref<2x3x128xi32, #tpu.memory_space<vmem>> -> memref<1x1x128xi32, #tpu.memory_space<vmem>>
      %dma_start3A_208 = tpu.memref_squeeze %dma_start3A_207 : memref<1x1x128xi32, #tpu.memory_space<vmem>> -> memref<128xi32, #tpu.memory_space<vmem>>
      %dma_start3A_209 = arith.constant 0 : i32
      %dma_start3A_210 = arith.constant 0 : i32
      %dma_start3A_211 = tpu.memref_slice %arg5[%dma_start3A_209, %dma_start3A_210] : memref<100360x32xbf16, #tpu.memory_space<vmem_shared>> -> memref<100360x32xbf16, #tpu.memory_space<vmem_shared>>
      tpu.enqueue_indirect_dma source(%dma_start3A_205 : memref<128x32xbf16, #tpu.memory_space<vmem>>) target(%dma_start3A_211 : memref<100360x32xbf16, #tpu.memory_space<vmem_shared>>) offsets(%dma_start3A_208 : memref<128xi32, #tpu.memory_space<vmem>>) semaphore(%arg11 : memref<!tpu.dma_semaphore, #tpu.memory_space<semaphore_mem>>) {add = true}
      %mul3A_212 = arith.constant 2 : i32
      %mul3A_213 = arith.muli %mul3A_212, %scan3A_119 : i32
      %add3A_214 = arith.constant 1 : i32
      %add3A_215 = arith.addi %mul3A_213, %add3A_214 : i32
      %dma_wait3A_216 = arith.constant 0 : i32
      %dma_wait3A_217 = arith.constant 0 : i32
      %dma_wait3A_218 = arith.constant 0 : i32
      %dma_wait3A_219 = arith.constant 0 : i32
      %dma_wait3A_220 = tpu.memref_slice %arg8[%dma_wait3A_218, %dma_wait3A_219] : memref<384x32xf32, #tpu.memory_space<vmem>> -> memref<128x32xf32, #tpu.memory_space<vmem>>
      %dma_wait3A_221 = arith.constant 0 : i32
      %dma_wait3A_222 = tpu.memref_slice %arg6[%dma_wait3A_216, %dma_wait3A_217, %dma_wait3A_221] : memref<3x2x128xi32, #tpu.memory_space<vmem>> -> memref<1x1x128xi32, #tpu.memory_space<vmem>>
      %dma_wait3A_223 = tpu.memref_squeeze %dma_wait3A_222 : memref<1x1x128xi32, #tpu.memory_space<vmem>> -> memref<128xi32, #tpu.memory_space<vmem>>
      %dma_wait3A_224 = arith.constant 0 : i32
      %dma_wait3A_225 = arith.constant 0 : i32
      %dma_wait3A_226 = tpu.memref_slice %arg2[%dma_wait3A_224, %dma_wait3A_225] : memref<2700000x32xf32, #tpu.memory_space<hbm>> -> memref<2700000x32xf32, #tpu.memory_space<hbm>>
      tpu.wait_indirect_dma semaphore(%arg10 : memref<!tpu.dma_semaphore, #tpu.memory_space<semaphore_mem>>) src(%dma_wait3A_226 : memref<2700000x32xf32, #tpu.memory_space<hbm>>) dst(%dma_wait3A_220 : memref<128x32xf32, #tpu.memory_space<vmem>>)
      %dma_wait3A_227 = arith.constant 1 : i32
      %dma_wait3A_228 = arith.constant 0 : i32
      %dma_wait3A_229 = arith.constant 128 : i32
      %dma_wait3A_230 = arith.constant 0 : i32
      %dma_wait3A_231 = tpu.memref_slice %arg8[%dma_wait3A_229, %dma_wait3A_230] : memref<384x32xf32, #tpu.memory_space<vmem>> -> memref<128x32xf32, #tpu.memory_space<vmem>>
      %dma_wait3A_232 = arith.constant 0 : i32
      %dma_wait3A_233 = tpu.memref_slice %arg6[%dma_wait3A_227, %dma_wait3A_228, %dma_wait3A_232] : memref<3x2x128xi32, #tpu.memory_space<vmem>> -> memref<1x1x128xi32, #tpu.memory_space<vmem>>
      %dma_wait3A_234 = tpu.memref_squeeze %dma_wait3A_233 : memref<1x1x128xi32, #tpu.memory_space<vmem>> -> memref<128xi32, #tpu.memory_space<vmem>>
      %dma_wait3A_235 = arith.constant 0 : i32
      %dma_wait3A_236 = arith.constant 0 : i32
      %dma_wait3A_237 = tpu.memref_slice %arg2[%dma_wait3A_235, %dma_wait3A_236] : memref<2700000x32xf32, #tpu.memory_space<hbm>> -> memref<2700000x32xf32, #tpu.memory_space<hbm>>
      tpu.wait_indirect_dma semaphore(%arg10 : memref<!tpu.dma_semaphore, #tpu.memory_space<semaphore_mem>>) src(%dma_wait3A_237 : memref<2700000x32xf32, #tpu.memory_space<hbm>>) dst(%dma_wait3A_231 : memref<128x32xf32, #tpu.memory_space<vmem>>)
      %dma_wait3A_238 = arith.constant 2 : i32
      %dma_wait3A_239 = arith.constant 0 : i32
      %dma_wait3A_240 = arith.constant 256 : i32
      %dma_wait3A_241 = arith.constant 0 : i32
      %dma_wait3A_242 = tpu.memref_slice %arg8[%dma_wait3A_240, %dma_wait3A_241] : memref<384x32xf32, #tpu.memory_space<vmem>> -> memref<128x32xf32, #tpu.memory_space<vmem>>
      %dma_wait3A_243 = arith.constant 0 : i32
      %dma_wait3A_244 = tpu.memref_slice %arg6[%dma_wait3A_238, %dma_wait3A_239, %dma_wait3A_243] : memref<3x2x128xi32, #tpu.memory_space<vmem>> -> memref<1x1x128xi32, #tpu.memory_space<vmem>>
      %dma_wait3A_245 = tpu.memref_squeeze %dma_wait3A_244 : memref<1x1x128xi32, #tpu.memory_space<vmem>> -> memref<128xi32, #tpu.memory_space<vmem>>
      %dma_wait3A_246 = arith.constant 0 : i32
      %dma_wait3A_247 = arith.constant 0 : i32
      %dma_wait3A_248 = tpu.memref_slice %arg2[%dma_wait3A_246, %dma_wait3A_247] : memref<2700000x32xf32, #tpu.memory_space<hbm>> -> memref<2700000x32xf32, #tpu.memory_space<hbm>>
      tpu.wait_indirect_dma semaphore(%arg10 : memref<!tpu.dma_semaphore, #tpu.memory_space<semaphore_mem>>) src(%dma_wait3A_248 : memref<2700000x32xf32, #tpu.memory_space<hbm>>) dst(%dma_wait3A_242 : memref<128x32xf32, #tpu.memory_space<vmem>>)
      %scan3A_249 = arith.constant 0 : i32
      %scan3A_250 = arith.constant 0 : i32
      %scan3A_251 = arith.constant 384 : i32
      %scan3A_252 = arith.addi %scan3A_250, %scan3A_251 : i32
      %scan3A_253 = arith.constant 1 : i32
      %scan3A_254 = scf.for %scan3A_306 = %scan3A_250 to %scan3A_252 step %scan3A_253 iter_args(%scan3A_307 = %scan3A_249) -> (i32)  : i32 {
        %get3A = arith.index_cast %scan3A_306 : i32 to index
        %get3A_308 = arith.constant 0 : index
        %get3A_309 = tpu.vector_load %arg8[%get3A, %get3A_308] {strides = array<i32>} : memref<384x32xf32, #tpu.memory_space<vmem>>, vector<1x16xf32>,
        %get3A_310 = vector.shape_cast %get3A_309 : vector<1x16xf32> to vector<16xf32>
        %get3A_311 = arith.index_cast %scan3A_306 : i32 to index
        %get3A_312 = arith.constant 16 : index
        %get3A_313 = tpu.vector_load %arg8[%get3A_311, %get3A_312] {strides = array<i32>} : memref<384x32xf32, #tpu.memory_space<vmem>>, vector<1x16xf32>,
        %get3A_314 = vector.shape_cast %get3A_313 : vector<1x16xf32> to vector<16xf32>
        %stack3A = vector.shape_cast %get3A_310 : vector<16xf32> to vector<1x16xf32>
        %stack3A_315 = vector.shape_cast %get3A_314 : vector<16xf32> to vector<1x16xf32>
        %stack3A_316 = tpu.concatenate %stack3A, %stack3A_315 in 0 : vector<1x16xf32>, vector<1x16xf32> -> vector<2x16xf32>
        %convert_element_type3A_317 = arith.truncf %stack3A_316 : vector<2x16xf32> to vector<2x16xbf16>
        %reshape3A = vector.shape_cast %convert_element_type3A_317 : vector<2x16xbf16> to vector<32xbf16>
        %swap3A = arith.constant 1 : i32
        %swap3A_318 = arith.index_cast %swap3A : i32 to index
        %swap3A_319 = arith.index_cast %scan3A_306 : i32 to index
        %swap3A_320 = arith.constant 0 : index
        %swap3A_321 = tpu.vector_load %arg9[%swap3A_318, %swap3A_319, %swap3A_320] {strides = array<i32>} : memref<2x384x32xbf16, #tpu.memory_space<vmem>>, vector<1x1x32xbf16>,
        %swap3A_322 = vector.shape_cast %swap3A_321 : vector<1x1x32xbf16> to vector<32xbf16>
        %swap3A_323 = vector.shape_cast %reshape3A : vector<32xbf16> to vector<1x1x32xbf16>
        tpu.vector_store %arg9[%swap3A_318, %swap3A_319, %swap3A_320], %swap3A_323 {strides = array<i32>} : memref<2x384x32xbf16, #tpu.memory_space<vmem>>, vector<1x1x32xbf16>,
        %scan3A_324 = arith.constant 0 : i32
        scf.yield %scan3A_324 : i32
      }
      %scan3A_255 = arith.constant 384 : i32
      %gt3A_256 = arith.constant 0 : i32
      %gt3A_257 = arith.cmpi sgt, %add3A_215, %gt3A_256 : i32
      %convert_element_type3A_258 = arith.extui %gt3A_257 : i1 to i32
      %cond3A_259 = arith.constant 0 : i32
      %cond3A_260 = arith.cmpi ne, %convert_element_type3A_258, %cond3A_259 : i32
      scf.if %cond3A_260 {
        %dma_wait3A_306 = arith.constant 0 : i32
        %dma_wait3A_307 = arith.constant 0 : i32
        %dma_wait3A_308 = arith.constant 0 : i32
        %dma_wait3A_309 = arith.constant 0 : i32
        %dma_wait3A_310 = arith.constant 0 : i32
        %dma_wait3A_311 = tpu.memref_slice %arg9[%dma_wait3A_306, %dma_wait3A_309, %dma_wait3A_310] : memref<2x384x32xbf16, #tpu.memory_space<vmem>> -> memref<1x128x32xbf16, #tpu.memory_space<vmem>>
        %dma_wait3A_312 = tpu.memref_squeeze %dma_wait3A_311 : memref<1x128x32xbf16, #tpu.memory_space<vmem>> -> memref<128x32xbf16, #tpu.memory_space<vmem>>
        %dma_wait3A_313 = arith.constant 0 : i32
        %dma_wait3A_314 = tpu.memref_slice %arg7[%dma_wait3A_307, %dma_wait3A_308, %dma_wait3A_313] : memref<2x3x128xi32, #tpu.memory_space<vmem>> -> memref<1x1x128xi32, #tpu.memory_space<vmem>>
        %dma_wait3A_315 = tpu.memref_squeeze %dma_wait3A_314 : memref<1x1x128xi32, #tpu.memory_space<vmem>> -> memref<128xi32, #tpu.memory_space<vmem>>
        %dma_wait3A_316 = arith.constant 0 : i32
        %dma_wait3A_317 = arith.constant 0 : i32
        %dma_wait3A_318 = tpu.memref_slice %arg5[%dma_wait3A_316, %dma_wait3A_317] : memref<100360x32xbf16, #tpu.memory_space<vmem_shared>> -> memref<100360x32xbf16, #tpu.memory_space<vmem_shared>>
        tpu.wait_indirect_dma semaphore(%arg11 : memref<!tpu.dma_semaphore, #tpu.memory_space<semaphore_mem>>) src(%dma_wait3A_312 : memref<128x32xbf16, #tpu.memory_space<vmem>>) dst(%dma_wait3A_318 : memref<100360x32xbf16, #tpu.memory_space<vmem_shared>>)
        %dma_wait3A_319 = arith.constant 0 : i32
        %dma_wait3A_320 = arith.constant 0 : i32
        %dma_wait3A_321 = arith.constant 1 : i32
        %dma_wait3A_322 = arith.constant 128 : i32
        %dma_wait3A_323 = arith.constant 0 : i32
        %dma_wait3A_324 = tpu.memref_slice %arg9[%dma_wait3A_319, %dma_wait3A_322, %dma_wait3A_323] : memref<2x384x32xbf16, #tpu.memory_space<vmem>> -> memref<1x128x32xbf16, #tpu.memory_space<vmem>>
        %dma_wait3A_325 = tpu.memref_squeeze %dma_wait3A_324 : memref<1x128x32xbf16, #tpu.memory_space<vmem>> -> memref<128x32xbf16, #tpu.memory_space<vmem>>
        %dma_wait3A_326 = arith.constant 0 : i32
        %dma_wait3A_327 = tpu.memref_slice %arg7[%dma_wait3A_320, %dma_wait3A_321, %dma_wait3A_326] : memref<2x3x128xi32, #tpu.memory_space<vmem>> -> memref<1x1x128xi32, #tpu.memory_space<vmem>>
        %dma_wait3A_328 = tpu.memref_squeeze %dma_wait3A_327 : memref<1x1x128xi32, #tpu.memory_space<vmem>> -> memref<128xi32, #tpu.memory_space<vmem>>
        %dma_wait3A_329 = arith.constant 0 : i32
        %dma_wait3A_330 = arith.constant 0 : i32
        %dma_wait3A_331 = tpu.memref_slice %arg5[%dma_wait3A_329, %dma_wait3A_330] : memref<100360x32xbf16, #tpu.memory_space<vmem_shared>> -> memref<100360x32xbf16, #tpu.memory_space<vmem_shared>>
        tpu.wait_indirect_dma semaphore(%arg11 : memref<!tpu.dma_semaphore, #tpu.memory_space<semaphore_mem>>) src(%dma_wait3A_325 : memref<128x32xbf16, #tpu.memory_space<vmem>>) dst(%dma_wait3A_331 : memref<100360x32xbf16, #tpu.memory_space<vmem_shared>>)
        %dma_wait3A_332 = arith.constant 0 : i32
        %dma_wait3A_333 = arith.constant 0 : i32
        %dma_wait3A_334 = arith.constant 2 : i32
        %dma_wait3A_335 = arith.constant 256 : i32
        %dma_wait3A_336 = arith.constant 0 : i32
        %dma_wait3A_337 = tpu.memref_slice %arg9[%dma_wait3A_332, %dma_wait3A_335, %dma_wait3A_336] : memref<2x384x32xbf16, #tpu.memory_space<vmem>> -> memref<1x128x32xbf16, #tpu.memory_space<vmem>>
        %dma_wait3A_338 = tpu.memref_squeeze %dma_wait3A_337 : memref<1x128x32xbf16, #tpu.memory_space<vmem>> -> memref<128x32xbf16, #tpu.memory_space<vmem>>
        %dma_wait3A_339 = arith.constant 0 : i32
        %dma_wait3A_340 = tpu.memref_slice %arg7[%dma_wait3A_333, %dma_wait3A_334, %dma_wait3A_339] : memref<2x3x128xi32, #tpu.memory_space<vmem>> -> memref<1x1x128xi32, #tpu.memory_space<vmem>>
        %dma_wait3A_341 = tpu.memref_squeeze %dma_wait3A_340 : memref<1x1x128xi32, #tpu.memory_space<vmem>> -> memref<128xi32, #tpu.memory_space<vmem>>
        %dma_wait3A_342 = arith.constant 0 : i32
        %dma_wait3A_343 = arith.constant 0 : i32
        %dma_wait3A_344 = tpu.memref_slice %arg5[%dma_wait3A_342, %dma_wait3A_343] : memref<100360x32xbf16, #tpu.memory_space<vmem_shared>> -> memref<100360x32xbf16, #tpu.memory_space<vmem_shared>>
        tpu.wait_indirect_dma semaphore(%arg11 : memref<!tpu.dma_semaphore, #tpu.memory_space<semaphore_mem>>) src(%dma_wait3A_338 : memref<128x32xbf16, #tpu.memory_space<vmem>>) dst(%dma_wait3A_344 : memref<100360x32xbf16, #tpu.memory_space<vmem_shared>>)
      } else {
      }
      %lt3A_261 = arith.constant 87 : i32
      %lt3A_262 = arith.cmpi slt, %add3A_215, %lt3A_261 : i32
      %convert_element_type3A_263 = arith.extui %lt3A_262 : i1 to i32
      %cond3A_264 = arith.constant 0 : i32
      %cond3A_265 = arith.cmpi ne, %convert_element_type3A_263, %cond3A_264 : i32
      scf.if %cond3A_265 {
        %add3A_306 = arith.constant 1 : i32
        %add3A_307 = arith.addi %add3A_215, %add3A_306 : i32
        %mul3A_308 = arith.constant 264 : i32
        %mul3A_309 = arith.muli %arg1, %mul3A_308 : i32
        %mul3A_310 = arith.constant 3 : i32
        %mul3A_311 = arith.muli %add3A_307, %mul3A_310 : i32
        %add3A_312 = arith.addi %mul3A_309, %mul3A_311 : i32
        "tpu.region"() ({
          %run_scoped3A_353 = tpu.sem_alloc : memref<!tpu.dma_semaphore, #tpu.memory_space<semaphore_mem>>
          %dma_start3A_354 = arith.constant 0 : i32
          %dma_start3A_355 = arith.constant 0 : i32
          %dma_start3A_356 = tpu.memref_slice %arg3[%add3A_312, %dma_start3A_354, %dma_start3A_355] : memref<4224x2x128xi32, #tpu.memory_space<hbm>> -> memref<3x2x128xi32, #tpu.memory_space<hbm>>
          %dma_start3A_357 = arith.constant 0 : i32
          %dma_start3A_358 = arith.constant 0 : i32
          %dma_start3A_359 = tpu.memref_slice %arg3[%add3A_312, %dma_start3A_357, %dma_start3A_358] : memref<4224x2x128xi32, #tpu.memory_space<hbm>> -> memref<3x2x128xi32, #tpu.memory_space<hbm>>
          tpu.enqueue_dma source(%dma_start3A_359 : memref<3x2x128xi32, #tpu.memory_space<hbm>>) target(%arg6 : memref<3x2x128xi32, #tpu.memory_space<vmem>>) target_semaphore(%run_scoped3A_353 : memref<!tpu.dma_semaphore, #tpu.memory_space<semaphore_mem>>)
          %dma_wait3A_360 = arith.constant 0 : i32
          %dma_wait3A_361 = arith.constant 0 : i32
          %dma_wait3A_362 = tpu.memref_slice %arg3[%add3A_312, %dma_wait3A_360, %dma_wait3A_361] : memref<4224x2x128xi32, #tpu.memory_space<hbm>> -> memref<3x2x128xi32, #tpu.memory_space<hbm>>
          %dma_wait3A_363 = arith.constant 0 : i32
          %dma_wait3A_364 = arith.constant 0 : i32
          %dma_wait3A_365 = tpu.memref_slice %arg3[%add3A_312, %dma_wait3A_363, %dma_wait3A_364] : memref<4224x2x128xi32, #tpu.memory_space<hbm>> -> memref<3x2x128xi32, #tpu.memory_space<hbm>>
          tpu.wait_dma2 semaphore(%run_scoped3A_353 : memref<!tpu.dma_semaphore, #tpu.memory_space<semaphore_mem>>) src(%dma_wait3A_365 : memref<3x2x128xi32, #tpu.memory_space<hbm>>) dst(%arg6 : memref<3x2x128xi32, #tpu.memory_space<vmem>>)
          tpu.yield
        }) : () -> ()
        %scan3A_313 = arith.constant 0 : i32
        %scan3A_314 = arith.constant 0 : i32
        %scan3A_315 = arith.constant 3 : i32
        %scan3A_316 = arith.addi %scan3A_314, %scan3A_315 : i32
        %scan3A_317 = arith.constant 1 : i32
        %scan3A_318 = scf.for %scan3A_353 = %scan3A_314 to %scan3A_316 step %scan3A_317 iter_args(%scan3A_354 = %scan3A_313) -> (i32)  : i32 {
          %get3A = arith.constant 1 : i32
          %get3A_355 = arith.index_cast %scan3A_353 : i32 to index
          %get3A_356 = arith.index_cast %get3A : i32 to index
          %get3A_357 = arith.constant 0 : index
          %get3A_358 = tpu.vector_load %arg6[%get3A_355, %get3A_356, %get3A_357] {strides = array<i32>} : memref<3x2x128xi32, #tpu.memory_space<vmem>>, vector<1x1x16xi32>,
          %get3A_359 = vector.shape_cast %get3A_358 : vector<1x1x16xi32> to vector<16xi32>
          %sub3A = vector.broadcast %mul3A_3 : i32 to vector<16xi32>
          %sub3A_360 = arith.subi %get3A_359, %sub3A : vector<16xi32>
          %ge3A = arith.constant 0 : i32
          %ge3A_361 = vector.broadcast %ge3A : i32 to vector<16xi32>
          %ge3A_362 = arith.cmpi sge, %sub3A_360, %ge3A_361 : vector<16xi32>
          %lt3A_363 = arith.constant 100352 : i32
          %lt3A_364 = vector.broadcast %lt3A_363 : i32 to vector<16xi32>
          %lt3A_365 = arith.cmpi slt, %sub3A_360, %lt3A_364 : vector<16xi32>
          %and3A_366 = arith.andi %ge3A_362, %lt3A_365 : vector<16xi1>
          %jit3A = arith.constant 100352 : i32
          %broadcast_in_dim3A = vector.broadcast %jit3A : i32 to vector<16xi32>
          %select_n3A = arith.select %and3A_366, %sub3A_360, %broadcast_in_dim3A : vector<16xi1>, vector<16xi32>
          %swap3A = arith.constant 0 : i32
          %swap3A_367 = arith.index_cast %swap3A : i32 to index
          %swap3A_368 = arith.index_cast %scan3A_353 : i32 to index
          %swap3A_369 = arith.constant 0 : index
          %swap3A_370 = tpu.vector_load %arg7[%swap3A_367, %swap3A_368, %swap3A_369] {strides = array<i32>} : memref<2x3x128xi32, #tpu.memory_space<vmem>>, vector<1x1x16xi32>,
          %swap3A_371 = vector.shape_cast %swap3A_370 : vector<1x1x16xi32> to vector<16xi32>
          %swap3A_372 = vector.shape_cast %select_n3A : vector<16xi32> to vector<1x1x16xi32>
          tpu.vector_store %arg7[%swap3A_367, %swap3A_368, %swap3A_369], %swap3A_372 {strides = array<i32>} : memref<2x3x128xi32, #tpu.memory_space<vmem>>, vector<1x1x16xi32>,
          %get3A_373 = arith.constant 1 : i32
          %get3A_374 = arith.index_cast %scan3A_353 : i32 to index
          %get3A_375 = arith.index_cast %get3A_373 : i32 to index
          %get3A_376 = arith.constant 16 : index
          %get3A_377 = tpu.vector_load %arg6[%get3A_374, %get3A_375, %get3A_376] {strides = array<i32>} : memref<3x2x128xi32, #tpu.memory_space<vmem>>, vector<1x1x16xi32>,
          %get3A_378 = vector.shape_cast %get3A_377 : vector<1x1x16xi32> to vector<16xi32>
          %sub3A_379 = vector.broadcast %mul3A_3 : i32 to vector<16xi32>
          %sub3A_380 = arith.subi %get3A_378, %sub3A_379 : vector<16xi32>
          %ge3A_381 = arith.constant 0 : i32
          %ge3A_382 = vector.broadcast %ge3A_381 : i32 to vector<16xi32>
          %ge3A_383 = arith.cmpi sge, %sub3A_380, %ge3A_382 : vector<16xi32>
          %lt3A_384 = arith.constant 100352 : i32
          %lt3A_385 = vector.broadcast %lt3A_384 : i32 to vector<16xi32>
          %lt3A_386 = arith.cmpi slt, %sub3A_380, %lt3A_385 : vector<16xi32>
          %and3A_387 = arith.andi %ge3A_383, %lt3A_386 : vector<16xi1>
          %jit3A_388 = arith.constant 100352 : i32
          %broadcast_in_dim3A_389 = vector.broadcast %jit3A_388 : i32 to vector<16xi32>
          %select_n3A_390 = arith.select %and3A_387, %sub3A_380, %broadcast_in_dim3A_389 : vector<16xi1>, vector<16xi32>
          %swap3A_391 = arith.constant 0 : i32
          %swap3A_392 = arith.index_cast %swap3A_391 : i32 to index
          %swap3A_393 = arith.index_cast %scan3A_353 : i32 to index
          %swap3A_394 = arith.constant 16 : index
          %swap3A_395 = tpu.vector_load %arg7[%swap3A_392, %swap3A_393, %swap3A_394] {strides = array<i32>} : memref<2x3x128xi32, #tpu.memory_space<vmem>>, vector<1x1x16xi32>,
          %swap3A_396 = vector.shape_cast %swap3A_395 : vector<1x1x16xi32> to vector<16xi32>
          %swap3A_397 = vector.shape_cast %select_n3A_390 : vector<16xi32> to vector<1x1x16xi32>
          tpu.vector_store %arg7[%swap3A_392, %swap3A_393, %swap3A_394], %swap3A_397 {strides = array<i32>} : memref<2x3x128xi32, #tpu.memory_space<vmem>>, vector<1x1x16xi32>,
          %get3A_398 = arith.constant 1 : i32
          %get3A_399 = arith.index_cast %scan3A_353 : i32 to index
          %get3A_400 = arith.index_cast %get3A_398 : i32 to index
          %get3A_401 = arith.constant 32 : index
          %get3A_402 = tpu.vector_load %arg6[%get3A_399, %get3A_400, %get3A_401] {strides = array<i32>} : memref<3x2x128xi32, #tpu.memory_space<vmem>>, vector<1x1x16xi32>,
          %get3A_403 = vector.shape_cast %get3A_402 : vector<1x1x16xi32> to vector<16xi32>
          %sub3A_404 = vector.broadcast %mul3A_3 : i32 to vector<16xi32>
          %sub3A_405 = arith.subi %get3A_403, %sub3A_404 : vector<16xi32>
          %ge3A_406 = arith.constant 0 : i32
          %ge3A_407 = vector.broadcast %ge3A_406 : i32 to vector<16xi32>
          %ge3A_408 = arith.cmpi sge, %sub3A_405, %ge3A_407 : vector<16xi32>
          %lt3A_409 = arith.constant 100352 : i32
          %lt3A_410 = vector.broadcast %lt3A_409 : i32 to vector<16xi32>
          %lt3A_411 = arith.cmpi slt, %sub3A_405, %lt3A_410 : vector<16xi32>
          %and3A_412 = arith.andi %ge3A_408, %lt3A_411 : vector<16xi1>
          %jit3A_413 = arith.constant 100352 : i32
          %broadcast_in_dim3A_414 = vector.broadcast %jit3A_413 : i32 to vector<16xi32>
          %select_n3A_415 = arith.select %and3A_412, %sub3A_405, %broadcast_in_dim3A_414 : vector<16xi1>, vector<16xi32>
          %swap3A_416 = arith.constant 0 : i32
          %swap3A_417 = arith.index_cast %swap3A_416 : i32 to index
          %swap3A_418 = arith.index_cast %scan3A_353 : i32 to index
          %swap3A_419 = arith.constant 32 : index
          %swap3A_420 = tpu.vector_load %arg7[%swap3A_417, %swap3A_418, %swap3A_419] {strides = array<i32>} : memref<2x3x128xi32, #tpu.memory_space<vmem>>, vector<1x1x16xi32>,
          %swap3A_421 = vector.shape_cast %swap3A_420 : vector<1x1x16xi32> to vector<16xi32>
          %swap3A_422 = vector.shape_cast %select_n3A_415 : vector<16xi32> to vector<1x1x16xi32>
          tpu.vector_store %arg7[%swap3A_417, %swap3A_418, %swap3A_419], %swap3A_422 {strides = array<i32>} : memref<2x3x128xi32, #tpu.memory_space<vmem>>, vector<1x1x16xi32>,
          %get3A_423 = arith.constant 1 : i32
          %get3A_424 = arith.index_cast %scan3A_353 : i32 to index
          %get3A_425 = arith.index_cast %get3A_423 : i32 to index
          %get3A_426 = arith.constant 48 : index
          %get3A_427 = tpu.vector_load %arg6[%get3A_424, %get3A_425, %get3A_426] {strides = array<i32>} : memref<3x2x128xi32, #tpu.memory_space<vmem>>, vector<1x1x16xi32>,
          %get3A_428 = vector.shape_cast %get3A_427 : vector<1x1x16xi32> to vector<16xi32>
          %sub3A_429 = vector.broadcast %mul3A_3 : i32 to vector<16xi32>
          %sub3A_430 = arith.subi %get3A_428, %sub3A_429 : vector<16xi32>
          %ge3A_431 = arith.constant 0 : i32
          %ge3A_432 = vector.broadcast %ge3A_431 : i32 to vector<16xi32>
          %ge3A_433 = arith.cmpi sge, %sub3A_430, %ge3A_432 : vector<16xi32>
          %lt3A_434 = arith.constant 100352 : i32
          %lt3A_435 = vector.broadcast %lt3A_434 : i32 to vector<16xi32>
          %lt3A_436 = arith.cmpi slt, %sub3A_430, %lt3A_435 : vector<16xi32>
          %and3A_437 = arith.andi %ge3A_433, %lt3A_436 : vector<16xi1>
          %jit3A_438 = arith.constant 100352 : i32
          %broadcast_in_dim3A_439 = vector.broadcast %jit3A_438 : i32 to vector<16xi32>
          %select_n3A_440 = arith.select %and3A_437, %sub3A_430, %broadcast_in_dim3A_439 : vector<16xi1>, vector<16xi32>
          %swap3A_441 = arith.constant 0 : i32
          %swap3A_442 = arith.index_cast %swap3A_441 : i32 to index
          %swap3A_443 = arith.index_cast %scan3A_353 : i32 to index
          %swap3A_444 = arith.constant 48 : index
          %swap3A_445 = tpu.vector_load %arg7[%swap3A_442, %swap3A_443, %swap3A_444] {strides = array<i32>} : memref<2x3x128xi32, #tpu.memory_space<vmem>>, vector<1x1x16xi32>,
          %swap3A_446 = vector.shape_cast %swap3A_445 : vector<1x1x16xi32> to vector<16xi32>
          %swap3A_447 = vector.shape_cast %select_n3A_440 : vector<16xi32> to vector<1x1x16xi32>
          tpu.vector_store %arg7[%swap3A_442, %swap3A_443, %swap3A_444], %swap3A_447 {strides = array<i32>} : memref<2x3x128xi32, #tpu.memory_space<vmem>>, vector<1x1x16xi32>,
          %get3A_448 = arith.constant 1 : i32
          %get3A_449 = arith.index_cast %scan3A_353 : i32 to index
          %get3A_450 = arith.index_cast %get3A_448 : i32 to index
          %get3A_451 = arith.constant 64 : index
          %get3A_452 = tpu.vector_load %arg6[%get3A_449, %get3A_450, %get3A_451] {strides = array<i32>} : memref<3x2x128xi32, #tpu.memory_space<vmem>>, vector<1x1x16xi32>,
          %get3A_453 = vector.shape_cast %get3A_452 : vector<1x1x16xi32> to vector<16xi32>
          %sub3A_454 = vector.broadcast %mul3A_3 : i32 to vector<16xi32>
          %sub3A_455 = arith.subi %get3A_453, %sub3A_454 : vector<16xi32>
          %ge3A_456 = arith.constant 0 : i32
          %ge3A_457 = vector.broadcast %ge3A_456 : i32 to vector<16xi32>
          %ge3A_458 = arith.cmpi sge, %sub3A_455, %ge3A_457 : vector<16xi32>
          %lt3A_459 = arith.constant 100352 : i32
          %lt3A_460 = vector.broadcast %lt3A_459 : i32 to vector<16xi32>
          %lt3A_461 = arith.cmpi slt, %sub3A_455, %lt3A_460 : vector<16xi32>
          %and3A_462 = arith.andi %ge3A_458, %lt3A_461 : vector<16xi1>
          %jit3A_463 = arith.constant 100352 : i32
          %broadcast_in_dim3A_464 = vector.broadcast %jit3A_463 : i32 to vector<16xi32>
          %select_n3A_465 = arith.select %and3A_462, %sub3A_455, %broadcast_in_dim3A_464 : vector<16xi1>, vector<16xi32>
          %swap3A_466 = arith.constant 0 : i32
          %swap3A_467 = arith.index_cast %swap3A_466 : i32 to index
          %swap3A_468 = arith.index_cast %scan3A_353 : i32 to index
          %swap3A_469 = arith.constant 64 : index
          %swap3A_470 = tpu.vector_load %arg7[%swap3A_467, %swap3A_468, %swap3A_469] {strides = array<i32>} : memref<2x3x128xi32, #tpu.memory_space<vmem>>, vector<1x1x16xi32>,
          %swap3A_471 = vector.shape_cast %swap3A_470 : vector<1x1x16xi32> to vector<16xi32>
          %swap3A_472 = vector.shape_cast %select_n3A_465 : vector<16xi32> to vector<1x1x16xi32>
          tpu.vector_store %arg7[%swap3A_467, %swap3A_468, %swap3A_469], %swap3A_472 {strides = array<i32>} : memref<2x3x128xi32, #tpu.memory_space<vmem>>, vector<1x1x16xi32>,
          %get3A_473 = arith.constant 1 : i32
          %get3A_474 = arith.index_cast %scan3A_353 : i32 to index
          %get3A_475 = arith.index_cast %get3A_473 : i32 to index
          %get3A_476 = arith.constant 80 : index
          %get3A_477 = tpu.vector_load %arg6[%get3A_474, %get3A_475, %get3A_476] {strides = array<i32>} : memref<3x2x128xi32, #tpu.memory_space<vmem>>, vector<1x1x16xi32>,
          %get3A_478 = vector.shape_cast %get3A_477 : vector<1x1x16xi32> to vector<16xi32>
          %sub3A_479 = vector.broadcast %mul3A_3 : i32 to vector<16xi32>
          %sub3A_480 = arith.subi %get3A_478, %sub3A_479 : vector<16xi32>
          %ge3A_481 = arith.constant 0 : i32
          %ge3A_482 = vector.broadcast %ge3A_481 : i32 to vector<16xi32>
          %ge3A_483 = arith.cmpi sge, %sub3A_480, %ge3A_482 : vector<16xi32>
          %lt3A_484 = arith.constant 100352 : i32
          %lt3A_485 = vector.broadcast %lt3A_484 : i32 to vector<16xi32>
          %lt3A_486 = arith.cmpi slt, %sub3A_480, %lt3A_485 : vector<16xi32>
          %and3A_487 = arith.andi %ge3A_483, %lt3A_486 : vector<16xi1>
          %jit3A_488 = arith.constant 100352 : i32
          %broadcast_in_dim3A_489 = vector.broadcast %jit3A_488 : i32 to vector<16xi32>
          %select_n3A_490 = arith.select %and3A_487, %sub3A_480, %broadcast_in_dim3A_489 : vector<16xi1>, vector<16xi32>
          %swap3A_491 = arith.constant 0 : i32
          %swap3A_492 = arith.index_cast %swap3A_491 : i32 to index
          %swap3A_493 = arith.index_cast %scan3A_353 : i32 to index
          %swap3A_494 = arith.constant 80 : index
          %swap3A_495 = tpu.vector_load %arg7[%swap3A_492, %swap3A_493, %swap3A_494] {strides = array<i32>} : memref<2x3x128xi32, #tpu.memory_space<vmem>>, vector<1x1x16xi32>,
          %swap3A_496 = vector.shape_cast %swap3A_495 : vector<1x1x16xi32> to vector<16xi32>
          %swap3A_497 = vector.shape_cast %select_n3A_490 : vector<16xi32> to vector<1x1x16xi32>
          tpu.vector_store %arg7[%swap3A_492, %swap3A_493, %swap3A_494], %swap3A_497 {strides = array<i32>} : memref<2x3x128xi32, #tpu.memory_space<vmem>>, vector<1x1x16xi32>,
          %get3A_498 = arith.constant 1 : i32
          %get3A_499 = arith.index_cast %scan3A_353 : i32 to index
          %get3A_500 = arith.index_cast %get3A_498 : i32 to index
          %get3A_501 = arith.constant 96 : index
          %get3A_502 = tpu.vector_load %arg6[%get3A_499, %get3A_500, %get3A_501] {strides = array<i32>} : memref<3x2x128xi32, #tpu.memory_space<vmem>>, vector<1x1x16xi32>,
          %get3A_503 = vector.shape_cast %get3A_502 : vector<1x1x16xi32> to vector<16xi32>
          %sub3A_504 = vector.broadcast %mul3A_3 : i32 to vector<16xi32>
          %sub3A_505 = arith.subi %get3A_503, %sub3A_504 : vector<16xi32>
          %ge3A_506 = arith.constant 0 : i32
          %ge3A_507 = vector.broadcast %ge3A_506 : i32 to vector<16xi32>
          %ge3A_508 = arith.cmpi sge, %sub3A_505, %ge3A_507 : vector<16xi32>
          %lt3A_509 = arith.constant 100352 : i32
          %lt3A_510 = vector.broadcast %lt3A_509 : i32 to vector<16xi32>
          %lt3A_511 = arith.cmpi slt, %sub3A_505, %lt3A_510 : vector<16xi32>
          %and3A_512 = arith.andi %ge3A_508, %lt3A_511 : vector<16xi1>
          %jit3A_513 = arith.constant 100352 : i32
          %broadcast_in_dim3A_514 = vector.broadcast %jit3A_513 : i32 to vector<16xi32>
          %select_n3A_515 = arith.select %and3A_512, %sub3A_505, %broadcast_in_dim3A_514 : vector<16xi1>, vector<16xi32>
          %swap3A_516 = arith.constant 0 : i32
          %swap3A_517 = arith.index_cast %swap3A_516 : i32 to index
          %swap3A_518 = arith.index_cast %scan3A_353 : i32 to index
          %swap3A_519 = arith.constant 96 : index
          %swap3A_520 = tpu.vector_load %arg7[%swap3A_517, %swap3A_518, %swap3A_519] {strides = array<i32>} : memref<2x3x128xi32, #tpu.memory_space<vmem>>, vector<1x1x16xi32>,
          %swap3A_521 = vector.shape_cast %swap3A_520 : vector<1x1x16xi32> to vector<16xi32>
          %swap3A_522 = vector.shape_cast %select_n3A_515 : vector<16xi32> to vector<1x1x16xi32>
          tpu.vector_store %arg7[%swap3A_517, %swap3A_518, %swap3A_519], %swap3A_522 {strides = array<i32>} : memref<2x3x128xi32, #tpu.memory_space<vmem>>, vector<1x1x16xi32>,
          %get3A_523 = arith.constant 1 : i32
          %get3A_524 = arith.index_cast %scan3A_353 : i32 to index
          %get3A_525 = arith.index_cast %get3A_523 : i32 to index
          %get3A_526 = arith.constant 112 : index
          %get3A_527 = tpu.vector_load %arg6[%get3A_524, %get3A_525, %get3A_526] {strides = array<i32>} : memref<3x2x128xi32, #tpu.memory_space<vmem>>, vector<1x1x16xi32>,
          %get3A_528 = vector.shape_cast %get3A_527 : vector<1x1x16xi32> to vector<16xi32>
          %sub3A_529 = vector.broadcast %mul3A_3 : i32 to vector<16xi32>
          %sub3A_530 = arith.subi %get3A_528, %sub3A_529 : vector<16xi32>
          %ge3A_531 = arith.constant 0 : i32
          %ge3A_532 = vector.broadcast %ge3A_531 : i32 to vector<16xi32>
          %ge3A_533 = arith.cmpi sge, %sub3A_530, %ge3A_532 : vector<16xi32>
          %lt3A_534 = arith.constant 100352 : i32
          %lt3A_535 = vector.broadcast %lt3A_534 : i32 to vector<16xi32>
          %lt3A_536 = arith.cmpi slt, %sub3A_530, %lt3A_535 : vector<16xi32>
          %and3A_537 = arith.andi %ge3A_533, %lt3A_536 : vector<16xi1>
          %jit3A_538 = arith.constant 100352 : i32
          %broadcast_in_dim3A_539 = vector.broadcast %jit3A_538 : i32 to vector<16xi32>
          %select_n3A_540 = arith.select %and3A_537, %sub3A_530, %broadcast_in_dim3A_539 : vector<16xi1>, vector<16xi32>
          %swap3A_541 = arith.constant 0 : i32
          %swap3A_542 = arith.index_cast %swap3A_541 : i32 to index
          %swap3A_543 = arith.index_cast %scan3A_353 : i32 to index
          %swap3A_544 = arith.constant 112 : index
          %swap3A_545 = tpu.vector_load %arg7[%swap3A_542, %swap3A_543, %swap3A_544] {strides = array<i32>} : memref<2x3x128xi32, #tpu.memory_space<vmem>>, vector<1x1x16xi32>,
          %swap3A_546 = vector.shape_cast %swap3A_545 : vector<1x1x16xi32> to vector<16xi32>
          %swap3A_547 = vector.shape_cast %select_n3A_540 : vector<16xi32> to vector<1x1x16xi32>
          tpu.vector_store %arg7[%swap3A_542, %swap3A_543, %swap3A_544], %swap3A_547 {strides = array<i32>} : memref<2x3x128xi32, #tpu.memory_space<vmem>>, vector<1x1x16xi32>,
          %scan3A_548 = arith.constant 0 : i32
          scf.yield %scan3A_548 : i32
        }
        %scan3A_319 = arith.constant 3 : i32
        %dma_start3A_320 = arith.constant 0 : i32
        %dma_start3A_321 = arith.constant 0 : i32
        %dma_start3A_322 = arith.constant 0 : i32
        %dma_start3A_323 = arith.constant 0 : i32
        %dma_start3A_324 = tpu.memref_slice %arg8[%dma_start3A_322, %dma_start3A_323] : memref<384x32xf32, #tpu.memory_space<vmem>> -> memref<128x32xf32, #tpu.memory_space<vmem>>
        %dma_start3A_325 = arith.constant 0 : i32
        %dma_start3A_326 = tpu.memref_slice %arg6[%dma_start3A_320, %dma_start3A_321, %dma_start3A_325] : memref<3x2x128xi32, #tpu.memory_space<vmem>> -> memref<1x1x128xi32, #tpu.memory_space<vmem>>
        %dma_start3A_327 = tpu.memref_squeeze %dma_start3A_326 : memref<1x1x128xi32, #tpu.memory_space<vmem>> -> memref<128xi32, #tpu.memory_space<vmem>>
        %dma_start3A_328 = arith.constant 0 : i32
        %dma_start3A_329 = arith.constant 0 : i32
        %dma_start3A_330 = tpu.memref_slice %arg2[%dma_start3A_328, %dma_start3A_329] : memref<2700000x32xf32, #tpu.memory_space<hbm>> -> memref<2700000x32xf32, #tpu.memory_space<hbm>>
        tpu.enqueue_indirect_dma source(%dma_start3A_330 : memref<2700000x32xf32, #tpu.memory_space<hbm>>) target(%dma_start3A_324 : memref<128x32xf32, #tpu.memory_space<vmem>>) offsets(%dma_start3A_327 : memref<128xi32, #tpu.memory_space<vmem>>) semaphore(%arg10 : memref<!tpu.dma_semaphore, #tpu.memory_space<semaphore_mem>>)
        %dma_start3A_331 = arith.constant 1 : i32
        %dma_start3A_332 = arith.constant 0 : i32
        %dma_start3A_333 = arith.constant 128 : i32
        %dma_start3A_334 = arith.constant 0 : i32
        %dma_start3A_335 = tpu.memref_slice %arg8[%dma_start3A_333, %dma_start3A_334] : memref<384x32xf32, #tpu.memory_space<vmem>> -> memref<128x32xf32, #tpu.memory_space<vmem>>
        %dma_start3A_336 = arith.constant 0 : i32
        %dma_start3A_337 = tpu.memref_slice %arg6[%dma_start3A_331, %dma_start3A_332, %dma_start3A_336] : memref<3x2x128xi32, #tpu.memory_space<vmem>> -> memref<1x1x128xi32, #tpu.memory_space<vmem>>
        %dma_start3A_338 = tpu.memref_squeeze %dma_start3A_337 : memref<1x1x128xi32, #tpu.memory_space<vmem>> -> memref<128xi32, #tpu.memory_space<vmem>>
        %dma_start3A_339 = arith.constant 0 : i32
        %dma_start3A_340 = arith.constant 0 : i32
        %dma_start3A_341 = tpu.memref_slice %arg2[%dma_start3A_339, %dma_start3A_340] : memref<2700000x32xf32, #tpu.memory_space<hbm>> -> memref<2700000x32xf32, #tpu.memory_space<hbm>>
        tpu.enqueue_indirect_dma source(%dma_start3A_341 : memref<2700000x32xf32, #tpu.memory_space<hbm>>) target(%dma_start3A_335 : memref<128x32xf32, #tpu.memory_space<vmem>>) offsets(%dma_start3A_338 : memref<128xi32, #tpu.memory_space<vmem>>) semaphore(%arg10 : memref<!tpu.dma_semaphore, #tpu.memory_space<semaphore_mem>>)
        %dma_start3A_342 = arith.constant 2 : i32
        %dma_start3A_343 = arith.constant 0 : i32
        %dma_start3A_344 = arith.constant 256 : i32
        %dma_start3A_345 = arith.constant 0 : i32
        %dma_start3A_346 = tpu.memref_slice %arg8[%dma_start3A_344, %dma_start3A_345] : memref<384x32xf32, #tpu.memory_space<vmem>> -> memref<128x32xf32, #tpu.memory_space<vmem>>
        %dma_start3A_347 = arith.constant 0 : i32
        %dma_start3A_348 = tpu.memref_slice %arg6[%dma_start3A_342, %dma_start3A_343, %dma_start3A_347] : memref<3x2x128xi32, #tpu.memory_space<vmem>> -> memref<1x1x128xi32, #tpu.memory_space<vmem>>
        %dma_start3A_349 = tpu.memref_squeeze %dma_start3A_348 : memref<1x1x128xi32, #tpu.memory_space<vmem>> -> memref<128xi32, #tpu.memory_space<vmem>>
        %dma_start3A_350 = arith.constant 0 : i32
        %dma_start3A_351 = arith.constant 0 : i32
        %dma_start3A_352 = tpu.memref_slice %arg2[%dma_start3A_350, %dma_start3A_351] : memref<2700000x32xf32, #tpu.memory_space<hbm>> -> memref<2700000x32xf32, #tpu.memory_space<hbm>>
        tpu.enqueue_indirect_dma source(%dma_start3A_352 : memref<2700000x32xf32, #tpu.memory_space<hbm>>) target(%dma_start3A_346 : memref<128x32xf32, #tpu.memory_space<vmem>>) offsets(%dma_start3A_349 : memref<128xi32, #tpu.memory_space<vmem>>) semaphore(%arg10 : memref<!tpu.dma_semaphore, #tpu.memory_space<semaphore_mem>>)
      } else {
      }
      %dma_start3A_266 = arith.constant 1 : i32
      %dma_start3A_267 = arith.constant 1 : i32
      %dma_start3A_268 = arith.constant 0 : i32
      %dma_start3A_269 = arith.constant 0 : i32
      %dma_start3A_270 = arith.constant 0 : i32
      %dma_start3A_271 = tpu.memref_slice %arg9[%dma_start3A_266, %dma_start3A_269, %dma_start3A_270] : memref<2x384x32xbf16, #tpu.memory_space<vmem>> -> memref<1x128x32xbf16, #tpu.memory_space<vmem>>
      %dma_start3A_272 = tpu.memref_squeeze %dma_start3A_271 : memref<1x128x32xbf16, #tpu.memory_space<vmem>> -> memref<128x32xbf16, #tpu.memory_space<vmem>>
      %dma_start3A_273 = arith.constant 0 : i32
      %dma_start3A_274 = tpu.memref_slice %arg7[%dma_start3A_267, %dma_start3A_268, %dma_start3A_273] : memref<2x3x128xi32, #tpu.memory_space<vmem>> -> memref<1x1x128xi32, #tpu.memory_space<vmem>>
      %dma_start3A_275 = tpu.memref_squeeze %dma_start3A_274 : memref<1x1x128xi32, #tpu.memory_space<vmem>> -> memref<128xi32, #tpu.memory_space<vmem>>
      %dma_start3A_276 = arith.constant 0 : i32
      %dma_start3A_277 = arith.constant 0 : i32
      %dma_start3A_278 = tpu.memref_slice %arg5[%dma_start3A_276, %dma_start3A_277] : memref<100360x32xbf16, #tpu.memory_space<vmem_shared>> -> memref<100360x32xbf16, #tpu.memory_space<vmem_shared>>
      tpu.enqueue_indirect_dma source(%dma_start3A_272 : memref<128x32xbf16, #tpu.memory_space<vmem>>) target(%dma_start3A_278 : memref<100360x32xbf16, #tpu.memory_space<vmem_shared>>) offsets(%dma_start3A_275 : memref<128xi32, #tpu.memory_space<vmem>>) semaphore(%arg11 : memref<!tpu.dma_semaphore, #tpu.memory_space<semaphore_mem>>) {add = true}
      %dma_start3A_279 = arith.constant 1 : i32
      %dma_start3A_280 = arith.constant 1 : i32
      %dma_start3A_281 = arith.constant 1 : i32
      %dma_start3A_282 = arith.constant 128 : i32
      %dma_start3A_283 = arith.constant 0 : i32
      %dma_start3A_284 = tpu.memref_slice %arg9[%dma_start3A_279, %dma_start3A_282, %dma_start3A_283] : memref<2x384x32xbf16, #tpu.memory_space<vmem>> -> memref<1x128x32xbf16, #tpu.memory_space<vmem>>
      %dma_start3A_285 = tpu.memref_squeeze %dma_start3A_284 : memref<1x128x32xbf16, #tpu.memory_space<vmem>> -> memref<128x32xbf16, #tpu.memory_space<vmem>>
      %dma_start3A_286 = arith.constant 0 : i32
      %dma_start3A_287 = tpu.memref_slice %arg7[%dma_start3A_280, %dma_start3A_281, %dma_start3A_286] : memref<2x3x128xi32, #tpu.memory_space<vmem>> -> memref<1x1x128xi32, #tpu.memory_space<vmem>>
      %dma_start3A_288 = tpu.memref_squeeze %dma_start3A_287 : memref<1x1x128xi32, #tpu.memory_space<vmem>> -> memref<128xi32, #tpu.memory_space<vmem>>
      %dma_start3A_289 = arith.constant 0 : i32
      %dma_start3A_290 = arith.constant 0 : i32
      %dma_start3A_291 = tpu.memref_slice %arg5[%dma_start3A_289, %dma_start3A_290] : memref<100360x32xbf16, #tpu.memory_space<vmem_shared>> -> memref<100360x32xbf16, #tpu.memory_space<vmem_shared>>
      tpu.enqueue_indirect_dma source(%dma_start3A_285 : memref<128x32xbf16, #tpu.memory_space<vmem>>) target(%dma_start3A_291 : memref<100360x32xbf16, #tpu.memory_space<vmem_shared>>) offsets(%dma_start3A_288 : memref<128xi32, #tpu.memory_space<vmem>>) semaphore(%arg11 : memref<!tpu.dma_semaphore, #tpu.memory_space<semaphore_mem>>) {add = true}
      %dma_start3A_292 = arith.constant 1 : i32
      %dma_start3A_293 = arith.constant 1 : i32
      %dma_start3A_294 = arith.constant 2 : i32
      %dma_start3A_295 = arith.constant 256 : i32
      %dma_start3A_296 = arith.constant 0 : i32
      %dma_start3A_297 = tpu.memref_slice %arg9[%dma_start3A_292, %dma_start3A_295, %dma_start3A_296] : memref<2x384x32xbf16, #tpu.memory_space<vmem>> -> memref<1x128x32xbf16, #tpu.memory_space<vmem>>
      %dma_start3A_298 = tpu.memref_squeeze %dma_start3A_297 : memref<1x128x32xbf16, #tpu.memory_space<vmem>> -> memref<128x32xbf16, #tpu.memory_space<vmem>>
      %dma_start3A_299 = arith.constant 0 : i32
      %dma_start3A_300 = tpu.memref_slice %arg7[%dma_start3A_293, %dma_start3A_294, %dma_start3A_299] : memref<2x3x128xi32, #tpu.memory_space<vmem>> -> memref<1x1x128xi32, #tpu.memory_space<vmem>>
      %dma_start3A_301 = tpu.memref_squeeze %dma_start3A_300 : memref<1x1x128xi32, #tpu.memory_space<vmem>> -> memref<128xi32, #tpu.memory_space<vmem>>
      %dma_start3A_302 = arith.constant 0 : i32
      %dma_start3A_303 = arith.constant 0 : i32
      %dma_start3A_304 = tpu.memref_slice %arg5[%dma_start3A_302, %dma_start3A_303] : memref<100360x32xbf16, #tpu.memory_space<vmem_shared>> -> memref<100360x32xbf16, #tpu.memory_space<vmem_shared>>
      tpu.enqueue_indirect_dma source(%dma_start3A_298 : memref<128x32xbf16, #tpu.memory_space<vmem>>) target(%dma_start3A_304 : memref<100360x32xbf16, #tpu.memory_space<vmem_shared>>) offsets(%dma_start3A_301 : memref<128xi32, #tpu.memory_space<vmem>>) semaphore(%arg11 : memref<!tpu.dma_semaphore, #tpu.memory_space<semaphore_mem>>) {add = true}
      %scan3A_305 = arith.constant 0 : i32
      scf.yield %scan3A_305 : i32
    }
    %scan3A_70 = arith.constant 44 : i32
    %dma_wait3A = arith.constant 1 : i32
    %dma_wait3A_71 = arith.constant 1 : i32
    %dma_wait3A_72 = arith.constant 0 : i32
    %dma_wait3A_73 = arith.constant 0 : i32
    %dma_wait3A_74 = arith.constant 0 : i32
    %dma_wait3A_75 = tpu.memref_slice %arg9[%dma_wait3A, %dma_wait3A_73, %dma_wait3A_74] : memref<2x384x32xbf16, #tpu.memory_space<vmem>> -> memref<1x128x32xbf16, #tpu.memory_space<vmem>>
    %dma_wait3A_76 = tpu.memref_squeeze %dma_wait3A_75 : memref<1x128x32xbf16, #tpu.memory_space<vmem>> -> memref<128x32xbf16, #tpu.memory_space<vmem>>
    %dma_wait3A_77 = arith.constant 0 : i32
    %dma_wait3A_78 = tpu.memref_slice %arg7[%dma_wait3A_71, %dma_wait3A_72, %dma_wait3A_77] : memref<2x3x128xi32, #tpu.memory_space<vmem>> -> memref<1x1x128xi32, #tpu.memory_space<vmem>>
    %dma_wait3A_79 = tpu.memref_squeeze %dma_wait3A_78 : memref<1x1x128xi32, #tpu.memory_space<vmem>> -> memref<128xi32, #tpu.memory_space<vmem>>
    %dma_wait3A_80 = arith.constant 0 : i32
    %dma_wait3A_81 = arith.constant 0 : i32
    %dma_wait3A_82 = tpu.memref_slice %arg5[%dma_wait3A_80, %dma_wait3A_81] : memref<100360x32xbf16, #tpu.memory_space<vmem_shared>> -> memref<100360x32xbf16, #tpu.memory_space<vmem_shared>>
    tpu.wait_indirect_dma semaphore(%arg11 : memref<!tpu.dma_semaphore, #tpu.memory_space<semaphore_mem>>) src(%dma_wait3A_76 : memref<128x32xbf16, #tpu.memory_space<vmem>>) dst(%dma_wait3A_82 : memref<100360x32xbf16, #tpu.memory_space<vmem_shared>>)
    %dma_wait3A_83 = arith.constant 1 : i32
    %dma_wait3A_84 = arith.constant 1 : i32
    %dma_wait3A_85 = arith.constant 1 : i32
    %dma_wait3A_86 = arith.constant 128 : i32
    %dma_wait3A_87 = arith.constant 0 : i32
    %dma_wait3A_88 = tpu.memref_slice %arg9[%dma_wait3A_83, %dma_wait3A_86, %dma_wait3A_87] : memref<2x384x32xbf16, #tpu.memory_space<vmem>> -> memref<1x128x32xbf16, #tpu.memory_space<vmem>>
    %dma_wait3A_89 = tpu.memref_squeeze %dma_wait3A_88 : memref<1x128x32xbf16, #tpu.memory_space<vmem>> -> memref<128x32xbf16, #tpu.memory_space<vmem>>
    %dma_wait3A_90 = arith.constant 0 : i32
    %dma_wait3A_91 = tpu.memref_slice %arg7[%dma_wait3A_84, %dma_wait3A_85, %dma_wait3A_90] : memref<2x3x128xi32, #tpu.memory_space<vmem>> -> memref<1x1x128xi32, #tpu.memory_space<vmem>>
    %dma_wait3A_92 = tpu.memref_squeeze %dma_wait3A_91 : memref<1x1x128xi32, #tpu.memory_space<vmem>> -> memref<128xi32, #tpu.memory_space<vmem>>
    %dma_wait3A_93 = arith.constant 0 : i32
    %dma_wait3A_94 = arith.constant 0 : i32
    %dma_wait3A_95 = tpu.memref_slice %arg5[%dma_wait3A_93, %dma_wait3A_94] : memref<100360x32xbf16, #tpu.memory_space<vmem_shared>> -> memref<100360x32xbf16, #tpu.memory_space<vmem_shared>>
    tpu.wait_indirect_dma semaphore(%arg11 : memref<!tpu.dma_semaphore, #tpu.memory_space<semaphore_mem>>) src(%dma_wait3A_89 : memref<128x32xbf16, #tpu.memory_space<vmem>>) dst(%dma_wait3A_95 : memref<100360x32xbf16, #tpu.memory_space<vmem_shared>>)
    %dma_wait3A_96 = arith.constant 1 : i32
    %dma_wait3A_97 = arith.constant 1 : i32
    %dma_wait3A_98 = arith.constant 2 : i32
    %dma_wait3A_99 = arith.constant 256 : i32
    %dma_wait3A_100 = arith.constant 0 : i32
    %dma_wait3A_101 = tpu.memref_slice %arg9[%dma_wait3A_96, %dma_wait3A_99, %dma_wait3A_100] : memref<2x384x32xbf16, #tpu.memory_space<vmem>> -> memref<1x128x32xbf16, #tpu.memory_space<vmem>>
    %dma_wait3A_102 = tpu.memref_squeeze %dma_wait3A_101 : memref<1x128x32xbf16, #tpu.memory_space<vmem>> -> memref<128x32xbf16, #tpu.memory_space<vmem>>
    %dma_wait3A_103 = arith.constant 0 : i32
    %dma_wait3A_104 = tpu.memref_slice %arg7[%dma_wait3A_97, %dma_wait3A_98, %dma_wait3A_103] : memref<2x3x128xi32, #tpu.memory_space<vmem>> -> memref<1x1x128xi32, #tpu.memory_space<vmem>>
    %dma_wait3A_105 = tpu.memref_squeeze %dma_wait3A_104 : memref<1x1x128xi32, #tpu.memory_space<vmem>> -> memref<128xi32, #tpu.memory_space<vmem>>
    %dma_wait3A_106 = arith.constant 0 : i32
    %dma_wait3A_107 = arith.constant 0 : i32
    %dma_wait3A_108 = tpu.memref_slice %arg5[%dma_wait3A_106, %dma_wait3A_107] : memref<100360x32xbf16, #tpu.memory_space<vmem_shared>> -> memref<100360x32xbf16, #tpu.memory_space<vmem_shared>>
    tpu.wait_indirect_dma semaphore(%arg11 : memref<!tpu.dma_semaphore, #tpu.memory_space<semaphore_mem>>) src(%dma_wait3A_102 : memref<128x32xbf16, #tpu.memory_space<vmem>>) dst(%dma_wait3A_108 : memref<100360x32xbf16, #tpu.memory_space<vmem_shared>>)
    %barrier3A_109 = arith.constant 0 : index
    tpu.barrier barrier_id(%barrier3A_109)
    %eq3A = arith.constant 1 : i32
    %eq3A_110 = arith.cmpi eq, %arg0, %eq3A : i32
    %eq3A_111 = arith.constant 15 : i32
    %eq3A_112 = arith.cmpi eq, %arg1, %eq3A_111 : i32
    %and3A = arith.andi %eq3A_110, %eq3A_112 : i1
    %convert_element_type3A = arith.extui %and3A : i1 to i32
    %cond3A = arith.constant 0 : i32
    %cond3A_113 = arith.cmpi ne, %convert_element_type3A, %cond3A : i32
    scf.if %cond3A_113 {
      %mul3A_119 = arith.constant 6272 : i32
      %mul3A_120 = arith.muli %arg1, %mul3A_119 : i32
      %mul3A_121 = arith.constant 6272 : i32
      %mul3A_122 = arith.muli %arg1, %mul3A_121 : i32
      %add3A_123 = arith.addi %mul3A_3, %mul3A_122 : i32
      "tpu.region"() ({
        %run_scoped3A_124 = tpu.sem_alloc : memref<!tpu.dma_semaphore, #tpu.memory_space<semaphore_mem>>
        %dma_start3A_125 = arith.constant 0 : i32
        %dma_start3A_126 = tpu.memref_slice %arg4[%add3A_123, %dma_start3A_125] : memref<200000x32xbf16, #tpu.memory_space<hbm>> -> memref<5568x32xbf16, #tpu.memory_space<hbm>>
        %dma_start3A_127 = arith.constant 0 : i32
        %dma_start3A_128 = tpu.memref_slice %arg5[%mul3A_120, %dma_start3A_127] : memref<100360x32xbf16, #tpu.memory_space<vmem_shared>> -> memref<5568x32xbf16, #tpu.memory_space<vmem_shared>>
        tpu.enqueue_dma source(%dma_start3A_128 : memref<5568x32xbf16, #tpu.memory_space<vmem_shared>>) target(%dma_start3A_126 : memref<5568x32xbf16, #tpu.memory_space<hbm>>) target_semaphore(%run_scoped3A_124 : memref<!tpu.dma_semaphore, #tpu.memory_space<semaphore_mem>>)
        %dma_wait3A_129 = arith.constant 0 : i32
        %dma_wait3A_130 = tpu.memref_slice %arg4[%add3A_123, %dma_wait3A_129] : memref<200000x32xbf16, #tpu.memory_space<hbm>> -> memref<5568x32xbf16, #tpu.memory_space<hbm>>
        %dma_wait3A_131 = arith.constant 0 : i32
        %dma_wait3A_132 = tpu.memref_slice %arg5[%mul3A_120, %dma_wait3A_131] : memref<100360x32xbf16, #tpu.memory_space<vmem_shared>> -> memref<5568x32xbf16, #tpu.memory_space<vmem_shared>>
        tpu.wait_dma2 semaphore(%run_scoped3A_124 : memref<!tpu.dma_semaphore, #tpu.memory_space<semaphore_mem>>) src(%dma_wait3A_132 : memref<5568x32xbf16, #tpu.memory_space<vmem_shared>>) dst(%dma_wait3A_130 : memref<5568x32xbf16, #tpu.memory_space<hbm>>)
        tpu.yield
      }) : () -> ()
    } else {
    }
    %not3A = arith.constant true
    %not3A_114 = arith.xori %and3A, %not3A : i1
    %convert_element_type3A_115 = arith.extui %not3A_114 : i1 to i32
    %cond3A_116 = arith.constant 0 : i32
    %cond3A_117 = arith.cmpi ne, %convert_element_type3A_115, %cond3A_116 : i32
    scf.if %cond3A_117 {
      %mul3A_119 = arith.constant 6272 : i32
      %mul3A_120 = arith.muli %arg1, %mul3A_119 : i32
      %mul3A_121 = arith.constant 6272 : i32
      %mul3A_122 = arith.muli %arg1, %mul3A_121 : i32
      %add3A_123 = arith.addi %mul3A_3, %mul3A_122 : i32
      "tpu.region"() ({
        %run_scoped3A_124 = tpu.sem_alloc : memref<!tpu.dma_semaphore, #tpu.memory_space<semaphore_mem>>
        %dma_start3A_125 = arith.constant 0 : i32
        %dma_start3A_126 = tpu.memref_slice %arg4[%add3A_123, %dma_start3A_125] : memref<200000x32xbf16, #tpu.memory_space<hbm>> -> memref<6272x32xbf16, #tpu.memory_space<hbm>>
        %dma_start3A_127 = arith.constant 0 : i32
        %dma_start3A_128 = tpu.memref_slice %arg5[%mul3A_120, %dma_start3A_127] : memref<100360x32xbf16, #tpu.memory_space<vmem_shared>> -> memref<6272x32xbf16, #tpu.memory_space<vmem_shared>>
        tpu.enqueue_dma source(%dma_start3A_128 : memref<6272x32xbf16, #tpu.memory_space<vmem_shared>>) target(%dma_start3A_126 : memref<6272x32xbf16, #tpu.memory_space<hbm>>) target_semaphore(%run_scoped3A_124 : memref<!tpu.dma_semaphore, #tpu.memory_space<semaphore_mem>>)
        %dma_wait3A_129 = arith.constant 0 : i32
        %dma_wait3A_130 = tpu.memref_slice %arg4[%add3A_123, %dma_wait3A_129] : memref<200000x32xbf16, #tpu.memory_space<hbm>> -> memref<6272x32xbf16, #tpu.memory_space<hbm>>
        %dma_wait3A_131 = arith.constant 0 : i32
        %dma_wait3A_132 = tpu.memref_slice %arg5[%mul3A_120, %dma_wait3A_131] : memref<100360x32xbf16, #tpu.memory_space<vmem_shared>> -> memref<6272x32xbf16, #tpu.memory_space<vmem_shared>>
        tpu.wait_dma2 semaphore(%run_scoped3A_124 : memref<!tpu.dma_semaphore, #tpu.memory_space<semaphore_mem>>) src(%dma_wait3A_132 : memref<6272x32xbf16, #tpu.memory_space<vmem_shared>>) dst(%dma_wait3A_130 : memref<6272x32xbf16, #tpu.memory_space<hbm>>)
        tpu.yield
      }) : () -> ()
    } else {
    }
    %barrier3A_118 = arith.constant 0 : index
    tpu.barrier barrier_id(%barrier3A_118)
    return
  }
}

module attributes {stable_mosaic.version = 14 : i64} {
  func.func @_y_body(%arg0: i32, %arg1: memref<2000x128xf32, #tpu.memory_space<vmem>>, %arg2: memref<128x864xf32, #tpu.memory_space<vmem>>, %arg3: memref<2000x864xf32, #tpu.memory_space<vmem>>) attributes {dimension_semantics = [#tpu.dimension_semantics<arbitrary>], iteration_bounds = array<i64: 50>, scalar_prefetch = 0 : i64, scratch_operands = 0 : i64, tpu.core_type = #tpu.core_type<tc>, window_params = [{transform_indices = @transform_0, window_bounds = array<i64: 2000, 128>}, {pipeline_mode = #tpu.pipeline_mode<synchronous>, transform_indices = @transform_1, window_bounds = array<i64: 128, 864>}, {transform_indices = @transform_2, window_bounds = array<i64: 2000, 864>}]} {
    %get3A = arith.constant 0 : index
    %get3A_0 = arith.constant 0 : index
    %get3A_1 = vector.load %arg1[%get3A, %get3A_0] : memref<2000x128xf32, #tpu.memory_space<vmem>>, vector<2000x128xf32>
    %get3A_2 = arith.constant 0 : index
    %get3A_3 = arith.constant 0 : index
    %get3A_4 = vector.load %arg2[%get3A_2, %get3A_3] : memref<128x864xf32, #tpu.memory_space<vmem>>, vector<128x864xf32>
    %dot_general3A = arith.constant dense<0.000000e+00> : vector<2000x864xf32>
    %dot_general3A_5 = tpu.matmul %get3A_1, %get3A_4, %dot_general3A {dimension_numbers = #tpu.dot_dimension_numbers<[1], [0], [0], [1], [0, 0, 1, 1], [], []>, transpose_lhs_hint = false} : vector<2000x128xf32>, vector<128x864xf32>, vector<2000x864xf32> -> vector<2000x864xf32>
    %swap3A = arith.constant 0 : index
    %swap3A_6 = arith.constant 0 : index
    %swap3A_7 = vector.load %arg3[%swap3A, %swap3A_6] : memref<2000x864xf32, #tpu.memory_space<vmem>>, vector<2000x864xf32>
    tpu.vector_store %arg3[%swap3A, %swap3A_6], %dot_general3A_5 {strides = array<i32>} : memref<2000x864xf32, #tpu.memory_space<vmem>>, vector<2000x864xf32>,
    return
  }
  func.func @transform_0(%arg0: i32) -> (i32, i32) {
    %c0_i32 = arith.constant 0 : i32
    %c0_i32_0 = arith.constant 0 : i32
    return %arg0, %c0_i32 : i32, i32
  }
  func.func @transform_1(%arg0: i32) -> (i32, i32) {
    %c0_i32 = arith.constant 0 : i32
    %c0_i32_0 = arith.constant 0 : i32
    %c0_i32_1 = arith.constant 0 : i32
    return %c0_i32, %c0_i32_0 : i32, i32
  }
  func.func @transform_2(%arg0: i32) -> (i32, i32) {
    %c0_i32 = arith.constant 0 : i32
    %c0_i32_0 = arith.constant 0 : i32
    return %arg0, %c0_i32 : i32, i32
  }
}

</mosaic_0001>

<sc_bundles>
// kernel: kernel.5.cloned.1.call-start
scs
__scs_entry_jumppad:
0x0: {  	(pc) =	sbr.rel $0x88, $3  }
0x1: {  	(tag) =	ssettag $0x0;
	lr =	simm.s32 $0x1  }
0x2: {  	[smem:$0x3F9D] =	sst lr;
	_ =	strace $0xD0000000  }
0x3: {  	_ = 	snop  }
0x4: {  	_ = 	snop  }
0x5: {  	_ = 	snop  }
0x6: {  	_ = 	snop  }
0x7: {  	_ = 	snop  }
__scs_overlays_trampoline_lowered:
0x8: {  	[smem:$0x3FAC] =	sst s0  }
0x9: {  	[smem:$0x3FAD] =	sst s1  }
0xa: {  	[smem:$0x3FAE] =	sst s2  }
0xb: {  	[smem:$0x3FAF] =	sst s3  }
0xc: {  	[smem:$0x3FB0] =	sst s4  }
0xd: {  	[smem:$0x3FB1] =	sst s5  }
0xe: {  	[smem:$0x3FB2] =	sst s6  }
0xf: {  	[smem:$0x3FB3] =	sst s7  }
0x10: {  	[smem:$0x3FB4] =	sst s8  }
0x11: {  	[smem:$0x3FB5] =	sst s9;
	s0 =	simm.s32 @!p0 $0x0  }
0x12: {  	s1 =	sld [smem:$0x3F9B];
	s0 =	simm.s32 @p0 $0x1  }
0x13: {  	[smem:$0x3FB6] =	sst s0;
	s0 =	simm.s32 @!p1 $0x0  }
0x14: {  	s2 =	sld [smem:$0x3F9A];
	s0 =	simm.s32 @p1 $0x1  }
0x15: {  	[smem:$0x3FB7] =	sst s0;
	s0 =	simm.s32 @!p2 $0x0  }
0x16: {  	s3 =	sld [smem:$0x3FDB];
	s0 =	simm.s32 @p2 $0x1  }
0x17: {  	s4 =	simm.s32 $0x1BF5;
	[smem:$0x3FB9] =	sst s0  }
0x18: {  	s0 =	sld [smem:$0x3F9C];
	_ =	swait.ge [sflag:s4], $0x0  }
0x19: {  	s7 =	sld [smem:$0x3F9D]  }
0x1a: {  	s8 =	sadd.s32 $0xFFFFE003, lr  }
0x1b: {  	s9 =	sadd.s32 $0xFFFFFEF7, lr;
	s5 =	simm.s32 $0xFFFFFFFF;
	p2 =	slt.u32 s8, $0xFFFFF086  }
0x1c: {  	p1 =	slt.u32 s9, $0xF7A;
	s5 =	simm.s32 @!p2 $0x0  }
0x1d: {  	s5 =	simm.s32 @p1 $0x1;
	p0 =	seq.s32 s7, s2  }
0x1e: {  	s7 =	smul.u32 @!p0 $0xF7A, s2;
	p2 =	seq.s32 @!p0 s5, $0x0  }
0x1f: {  	s9 =	smul.u32 $0xF7A, s1;
	s8 =	simm.s32 @!p0 $0x1BF5;
	p2 =	por !p2, p0  }
0x20: {  	[sflag:s8] =	ssyncset.s32 @!p0 $0xFFFFF086;
	s6 =	sadd.s32 @!p0 s3, s7;
	s7 =	simm.s32 @!p0 $0x108  }
0x21: {  	s3 =	sadd.s32 s3, s9;
	s6 =	sadd.s32 @!p0 $0x88, s6;
	s7 =	simm.s32 @p2 $0x1082  }
0x22: {  	[simem:s7], [sflag:s8] =	dma.local @!p0 [hbm:s6], $0xF7A  }
0x23: {  	s9 =	sor.u32 $0xD0000000, s2;
	s6 =	simm.s32 $0x108;
	_ =	swait.ge @!p0 [sflag:s8], $0x0  }
0x24: {  	s3 =	sadd.s32 $0x88, s3;
	s6 =	simm.s32 @!p1 $0x1082;
	[sflag:s4] =	ssyncset.s32 $0xFFFFF086  }
0x25: {  	[simem:s6], [sflag:s4] =	dma.local [hbm:s3], $0xF7A  }
0x26: {  	[smem:$0x3F9D] =	sst s1;
	(tag) =	ssettag s2;
	_ =	strace s9  }
0x27: {  	s1 =	sld [smem:$0x3FAD]  }
0x28: {  	s2 =	sld [smem:$0x3FAE]  }
0x29: {  	s4 =	sld [smem:$0x3FB0]  }
0x2a: {  	p0 =	seq.s32 s5, $0x0;
	s5 =	sld [smem:$0x3FB1]  }
0x2b: {  	s6 =	sld [smem:$0x3FB2]  }
0x2c: {  	s7 =	sld [smem:$0x3FB3]  }
0x2d: {  	s3 =	simm.s32 $0x108;
	s8 =	sld [smem:$0x3FB4]  }
0x2e: {  	s3 =	simm.s32 @!p0 $0x1082;
	s9 =	sld [smem:$0x3FB5]  }
0x2f: {  	lr =	sadd.s32 s0, s3;
	s0 =	sld [smem:$0x3FAC]  }
0x30: {  	s3 =	sld [smem:$0x3FAF]  }
0x31: {  	[smem:$0x3FB8] =	sst s10  }
0x32: {  	s10 =	sld [smem:$0x3FB6];
	_ =	sdelay $0x3  }
0x33: {  	p0 =	seq.s32 s10, $0x1;
	s10 =	sld [smem:$0x3FB8];
	_ =	sdelay $0x3  }
0x34: {  	[smem:$0x3FB8] =	sst s10  }
0x35: {  	s10 =	sld [smem:$0x3FB7];
	_ =	sdelay $0x3  }
0x36: {  	p1 =	seq.s32 s10, $0x1;
	s10 =	sld [smem:$0x3FB8];
	_ =	sdelay $0x3  }
0x37: {  	[smem:$0x3FB8] =	sst s10  }
0x38: {  	s10 =	sld [smem:$0x3FB9]  }
0x39: {  	_ = 	snop;
	(pc) =	sbr.ind lr, $3  }
0x3a: {  	_ = 	snop  }
0x3b: {  	_ = 	snop  }
0x3c: {  	p2 =	seq.s32 s10, $0x1;
	s10 =	sld [smem:$0x3FB8]  }
0x3d: {  	_ =	shalt  }
0x3e: {  	_ =	shalt  }
0x3f: {  	_ =	shalt  }
0x40: {  	_ =	shalt  }
0x41: {  	_ =	shalt  }
0x42: {  	_ =	shalt  }
0x43: {  	_ =	shalt  }
0x44: {  	_ =	shalt  }
0x45: {  	_ =	shalt  }
0x46: {  	_ =	shalt  }
0x47: {  	_ =	shalt  }
0x48: {  	_ =	shalt  }
0x49: {  	_ =	shalt  }
0x4a: {  	_ =	shalt  }
0x4b: {  	_ =	shalt  }
0x4c: {  	_ =	shalt  }
0x4d: {  	_ =	shalt  }
0x4e: {  	_ =	shalt  }
0x4f: {  	_ =	shalt  }
0x50: {  	_ =	shalt  }
0x51: {  	_ =	shalt  }
0x52: {  	_ =	shalt  }
0x53: {  	_ =	shalt  }
0x54: {  	_ =	shalt  }
0x55: {  	_ =	shalt  }
0x56: {  	_ =	shalt  }
0x57: {  	_ =	shalt  }
0x58: {  	_ =	shalt  }
0x59: {  	_ =	shalt  }
0x5a: {  	_ =	shalt  }
0x5b: {  	_ =	shalt  }
0x5c: {  	_ =	shalt  }
0x5d: {  	_ =	shalt  }
0x5e: {  	_ =	shalt  }
0x5f: {  	_ =	shalt  }
0x60: {  	_ =	shalt  }
0x61: {  	_ =	shalt  }
0x62: {  	_ =	shalt  }
0x63: {  	_ =	shalt  }
0x64: {  	_ =	shalt  }
0x65: {  	_ =	shalt  }
0x66: {  	_ =	shalt  }
0x67: {  	_ =	shalt  }
0x68: {  	_ =	shalt  }
0x69: {  	_ =	shalt  }
0x6a: {  	_ =	shalt  }
0x6b: {  	_ =	shalt  }
0x6c: {  	_ =	shalt  }
0x6d: {  	_ =	shalt  }
0x6e: {  	_ =	shalt  }
0x6f: {  	_ =	shalt  }
0x70: {  	_ =	shalt  }
0x71: {  	_ =	shalt  }
0x72: {  	_ =	shalt  }
0x73: {  	_ =	shalt  }
0x74: {  	_ =	shalt  }
0x75: {  	_ =	shalt  }
0x76: {  	_ =	shalt  }
0x77: {  	_ =	shalt  }
0x78: {  	_ =	shalt  }
0x79: {  	_ =	shalt  }
0x7a: {  	_ =	shalt  }
0x7b: {  	_ =	shalt  }
0x7c: {  	_ =	shalt  }
0x7d: {  	_ =	shalt  }
0x7e: {  	_ =	shalt  }
0x7f: {  	_ =	shalt  }
0x80: {  	_ =	shalt  }
0x81: {  	_ =	shalt  }
0x82: {  	_ =	shalt  }
0x83: {  	_ =	shalt  }
0x84: {  	_ =	shalt  }
0x85: {  	_ =	shalt  }
0x86: {  	_ =	shalt  }
0x87: {  	_ =	shalt  }
.Lfunc_end0:
.L_simem_size_0:
called_computation_lowered:
.L_overlay_start_0:
0x88: {  	s2 =	sld [smem:$0x3FD9]  }
0x89: {  	s3 =	sld [smem:$0x3FFE];
	_ =	sdelay $0x1  }
0x8a: {  	s1 =	srdreg.scid  }
0x8b: {  	s0 =	sand.u32 $0x1, s1  }
0x8c: {  	s17 =	sshll.u32 s0, $0xA;
	s2 =	sadd.s32 s3, s2  }
0x8d: {  	s2 =	sadd.s32 s2, s17  }
0x8e: {  	[smem:$0x3FC4] =	sst s2  }
0x8f: {  	_ = 	snop  }
0x90: {  	s2 =	sld [smem:$0x3FD0];
	(tm) =	ssettm $0x1  }
0x91: {  	s18 =	sld [smem:$0x3FFB];
	_ =	sdelay $0x3  }
0x92: {  	_ =	strace s18  }
0x93: {  	s3 =	sld [smem:$0x3FFC];
	_ =	sdelay $0x3  }
0x94: {  	_ =	strace s3  }
0x95: {  	s3 =	sld [smem:$0x3FFD];
	_ =	sdelay $0x3  }
0x96: {  	_ =	strace s3  }
0x97: {  	_ =	strace $0x8FFFFFFF  }
0x98: {  	s19 =	sld [smem:$0x3FDB];
	_ =	sdelay $0x1  }
0x99: {  	s4 =	simm.s32 $_scs_section_size  }
0x9a: {  	s5 =	simm.s32 $_size__tile_overlayer_lowered;
	s6 =	simm.s32 $_tile_overlayer_lowered  }
0x9b: {  	s22 =	simm.s32 $0x1BFF;
	s21 =	sshll.u32 s6, $0x1;
	s3 =	sadd.s32 s4, s19  }
0x9c: {  	s7 =	simm.s32 $0x0;
	s20 =	sshll.u32 s5, $0x1;
	s5 =	sadd.s32 s21, s3  }
0x9d: {  	[timem:s7], [sflag:s22] =	dma.local [hbm:s5], s20  }
0x9e: {  	_ =	swait.ge [sflag:s22], s20  }
0x9f: {  	s4 =	ssub.s32 $0x0, s20;
	[sflag:s22] =	ssyncset.done $0x0  }
0xa0: {  	[sflag:s22] =	ssyncadd.s32 s4;
	_ =	sdelay $0x1  }
0xa1: {  	s23 =	simm.s32 $0x1B8B  }
0xa2: {  	_ =	swait.ge [sflag:s23], $0x1  }
0xa3: {  	[sflag:s23] =	ssyncset.done $0x0  }
0xa4: {  	s25 =	simm.s32 $0x1B8E;
	s24 =	sld [smem:$0x3FFE];
	[sflag:s23] =	ssyncadd.s32 $0xFFFFFFFF  }
0xa5: {  	s26 =	simm.s32 $execute0_lowered;
	[smem:$0x3FD2] =	sst s25  }
0xa6: {  	s5 =	sshll.u32 s26, $0x1;
	_ =	strace $0x80000046;
	[dreg:$0x1] =	wrdreg $0xFFFFFFFF  }
0xa7: {  	s28 =	simm.s32 $_size_execute0_lowered;
	s3 =	sadd.s32 s3, s5;
	[dreg:$0x0] =	wrdreg $0x0  }
0xa8: {  	s5 =	sshll.u32 s28, $0x1;
	[dreg:$0x2] =	wrdreg s3  }
0xa9: {  	[dreg:$0x3] =	wrdreg s5  }
0xaa: {  	[dreg:$0x4] =	wrdreg $0xC0  }
0xab: {  	_ =	task [dreg:s7], $0x5FFFF  }
0xac: {  	[dreg:$0x1] =	wrdreg $0xFFFFFFFF  }
0xad: {  	[dreg:$0x0] =	wrdreg $0x60  }
0xae: {  	[dreg:$0x2] =	wrdreg s24  }
0xaf: {  	[dreg:$0x3] =	wrdreg s2  }
0xb0: {  	[dreg:$0x4] =	wrdreg $0x0  }
0xb1: {  	[dreg:$0x5] =	wrdreg $0x9  }
0xb2: {  	_ =	task.clear_ibuf [dreg:s7], $0x6FFFF;
	_ =	strace $0x90000046  }
0xb3: {  	s29 =	simm.s32 $0x9;
	_ =	strace $0x80000048  }
0xb4: {  	_ =	swait.ge [sflag:s29], $0x1  }
0xb5: {  	[sflag:s29] =	ssyncadd.s32 $0xFFFFFFFF  }
0xb6: {  	_ =	strace $0x90000048  }
0xb7: {  	_ =	sfence  }
0xb8: {  	s30 =	sld [smem:$0x0];
	_ =	sdelay $0x2  }
0xb9: {  	s31 =	sshll.u32 s1, $0xD;
	s1 =	sshrl.u32 s1, $0x2  }
0xba: {  	s3 =	sand.u32 $0x4000, s31;
	s1 =	sadd.s32 s1, s30  }
0xbb: {  	s0 =	sor.u32 s3, s0;
	s1 =	sshll.u32 s1, $0x11  }
0xbc: {  	s0 =	sor.u32 s1, s0  }
0xbd: {  	s0 =	sadd.s32 $0x8F2B, s0  }
0xbe: {  	[sflag:s0] =	ssyncadd.remote.s32 $0x1  }
0xbf: {  	_ =	sfence.sel $0xFFFF  }
0xc0: {  	[dreg:$0x0] =	wrdreg $0xFFFFFFFF;
	(pc) =	sbr.abs _section_cstart, $3  }
0xc1: {  	[dreg:$0x1] =	wrdreg $0xFFFFFFFF  }
0xc2: {  	_ =	task.clear_ibuf [dreg:s7], $0x2FFFF;
	_ =	strace $0x9FFFFFFF  }
0xc3: {  	(tm) =	ssettm $0x7FFFFFFF  }
tec
execute0_lowered:
.L_overlay_start_1:
0x0: {  	(tag) =	ssettag $0x1  }
0x1: {  	s0 =	rddreg [dreg:$0x0]  }
0x2: {  	s2 =	rddreg [dreg:$0x1]  }
0x3: {  	s1 =	rddreg [dreg:$0x2]  }
0x4: {  	s3 =	simm.s32 $0x0;
	s25 =	srdreg.scid;
	s11 =	stileid.u32  }
0x5: {  	[smem:$0x7FF] =	sst s3;
	s3 =	sand.u32 $0x1, s25;
	s6 =	smul.u32 $0x62000, s11  }
0x6: {  	s5 =	sadd.s32 $0x800, s0;
	s29 =	smul.u32 $0x2100, s11;
	s12 =	sadd.s32 $0x5EF00, s2  }
0x7: {  	_ =	strace $0x80000047;
	s26 =	ssub.s32 $0x2, s3;
	s6 =	sshrl.u32 s6, $0x2  }
0x8: {  	[dreg:$0x8] =	wrdreg s12;
	s16 =	sadd.s32 s6, s1;
	s6 =	sadd.s32 s5, s29  }
0x9: {  	s4 =	sadd.s32 $0xAAEE00, s0;
	s8 =	sshrl.u32 s26, $0x1;
	[dreg:$0x6] =	wrdreg s6  }
0xa: {  	s0 =	ssub.s32 s26, s8;
	s9 =	sadd.s32 $0x18000, s16;
	[dreg:$0x4] =	wrdreg s16  }
0xb: {  	s31 =	simm.s32 $0x1BE08;
	s0 =	smax.u32 s0, $0x1;
	[dreg:$0x5] =	wrdreg s9  }
0xc: {  	s28 =	simm.s32 $0x1E608;
	s13 =	sadd.s32 $0x1800, s16;
	[dreg:$0xa] =	wrdreg s0  }
0xd: {  	s7 =	smul.u32 $0x108, s11;
	s14 =	sadd.s32 $0x3000, s16;
	[dreg:$0xb] =	wrdreg s13  }
0xe: {  	s30 =	smul.u32 $0x1880, s11;
	s15 =	sadd.s32 $0x4800, s16;
	[dreg:$0xc] =	wrdreg s14  }
0xf: {  	p1 =	sne.s32 s11, $0xF;
	s17 =	sadd.s32 $0x6000, s16;
	[dreg:$0xd] =	wrdreg s15  }
0x10: {  	s10 =	smul.u32 $0x18800, s3;
	s18 =	sadd.s32 $0x7800, s16;
	[dreg:$0xe] =	wrdreg s17  }
0x11: {  	p0 =	seq.s32 s3, $0x0;
	s19 =	sadd.s32 $0x9000, s16;
	[dreg:$0xf] =	wrdreg s18  }
0x12: {  	s12 =	simm.s32 $0x19E08;
	s20 =	sadd.s32 $0xA800, s16;
	[dreg:$0x10] =	wrdreg s19  }
0x13: {  	p0 =	por p0, p1;
	s21 =	sadd.s32 $0xC000, s16;
	[dreg:$0x11] =	wrdreg s20  }
0x14: {  	s11 =	sadd.s32 s30, s10;
	s22 =	sadd.s32 $0xD800, s16;
	[dreg:$0x12] =	wrdreg s21  }
0x15: {  	s8 =	simm.s32 $0x18E08;
	s23 =	sadd.s32 $0xF000, s16;
	[dreg:$0x13] =	wrdreg s22  }
0x16: {  	s3 =	sshll.u32 s11, $0x1;
	s24 =	sadd.s32 $0x10800, s16;
	[dreg:$0x14] =	wrdreg s23  }
0x17: {  	s6 =	sadd.s32 $0x16F800, s1;
	s25 =	sadd.s32 $0x12000, s16;
	[dreg:$0x16] =	wrdreg s24  }
0x18: {  	s26 =	sadd.s32 $0x13800, s16;
	s29 =	sadd.s32 $0x15000, s16;
	[dreg:$0x17] =	wrdreg s25  }
0x19: {  	s30 =	sadd.s32 $0x16800, s16;
	s11 =	simm.s32 $0x18908;
	[dreg:$0x18] =	wrdreg s26  }
0x1a: {  	s9 =	sor.u32 $0x3, s7;
	s7 =	sor.u32 $0x6, s7;
	[dreg:$0x19] =	wrdreg s29  }
0x1b: {  	s2 =	sadd.s32 s2, s3;
	s0 =	sshrl.u32 @!p0 s6, $0x3;
	[dreg:$0x1a] =	wrdreg s30  }
0x1c: {  	s13 =	simm.s32 $0x18A08;
	s14 =	simm.s32 $0x1AE08;
	s15 =	simm.s32 $0x1  }
0x1d: {  	s17 =	simm.s32 $0x18B88;
	s18 =	simm.s32 $0x1C608;
	s19 =	simm.s32 $0x18C08  }
.Ltmp0:
0x1e: {  	s20 =	simm.s32 $0x1CE08;
	s21 =	simm.s32 $0x2;
	(pc) =	sbr.rel .LBB2_1-.Ltmp0, $4  }
0x1f: {  	s22 =	simm.s32 $0x18C88;
	s23 =	simm.s32 $0x1D608;
	[dreg:$0x7] =	wrdreg s7  }
0x20: {  	s24 =	simm.s32 $0x18D08;
	s25 =	simm.s32 $0x1DE08;
	[dreg:$0x9] =	wrdreg s2  }
0x21: {  	s26 =	simm.s32 $0x18D88;
	s6 =	simm.s32 $0x0;
	[dreg:$0x15] =	wrdreg s0  }
0x22: {  	v1 =	vimm.bf16 $0.0e+00;
	v0 =	vmov s10;
	s0 =	simm.s32 $0x3;
	s2 =	simm.s32 $0x18808;
	s7 =	simm.s32 $0x80  }
.LBB2_11:
0x23: {  	_ =	swait.ge [sflag:s21], $0x800  }
0x24: {  	[sflag:s21] =	ssyncset.done $0x0  }
0x25: {  	[sflag:s21] =	ssyncadd.s32 $0xFFFFF800  }
0x26: {  	_ =	swait.ge [sflag:s21], $0x800  }
0x27: {  	[sflag:s21] =	ssyncset.done $0x0  }
0x28: {  	[sflag:s21] =	ssyncadd.s32 $0xFFFFF800  }
0x29: {  	_ =	swait.ge [sflag:s21], $0x800  }
0x2a: {  	[sflag:s21] =	ssyncset.done $0x0  }
0x2b: {  	[sflag:s21] =	ssyncadd.s32 $0xFFFFF800  }
0x2c: {  	s3 =	stileid.u32;
	[bflag:$0x0] =	sbarrier.arrive $0xFFFF  }
0x2d: {  	s3 =	sshll.u32 @p0 s3, $0x6;
	s16 =	rddreg [dreg:$0x4]  }
0x2e: {  	s3 =	sor.u32 @p0 $0x1C03, s3;
	s10 =	rddreg [dreg:$0x9];
	s6 =	sshrl.u32 @p0 s16, $0x3  }
0x2f: {  	[hbm:s10], [sflag:s3] =	dma.local @p0 [spmem:s6], $0x3100  }
0x30: {  	s3 =	simm.s32 @p0 $0x3  }
0x31: {  	_ =	swait.ge @p0 [sflag:s3], $0x3100  }
0x32: {  	[sflag:s3] =	ssyncset.done @p0 $0x0;
	s6 =	rddreg [dreg:$0x8]  }
0x33: {  	s10 =	rddreg [dreg:$0x15];
	[sflag:s3] =	ssyncadd.s32 @p0 $0xFFFFCF00;
	s3 =	simm.s32 @!p0 $0x1FC3  }
0x34: {  	[hbm:s6], [sflag:s3] =	dma.local @!p0 [spmem:s10], $0x2B80  }
0x35: {  	s3 =	simm.s32 @!p0 $0x3  }
0x36: {  	_ =	swait.ge @!p0 [sflag:s3], $0x2B80  }
0x37: {  	s29 =	rddreg [dreg:$0x1b]  }
0x38: {  	s30 =	rddreg [dreg:$0xa];
	s6 =	sadd.s32 $0x1, s29  }
0x39: {  	p1 =	sne.s32 s6, s30  }
.Ltmp1:
0x3a: {  	_ = 	snop;
	(pc) =	sbr.rel @!p1 .LBB2_12-.Ltmp1, $3  }
0x3b: {  	[sflag:s3] =	ssyncset.done @!p0 $0x0  }
0x3c: {  	[sflag:s3] =	ssyncadd.s32 @!p0 $0xFFFFD480  }
0x3d: {  	[bflag:$0x0] =	sbarrier.arrive $0xFFFF;
	_ =	sdelay $0x1  }
.LBB2_1:
0x3e: {  	[dreg:$0x1b] =	wrdreg s6;
	s3 =	simm.s32 $0x40;
	s6 =	simm.s32 $0x0  }
.LBB2_2:
0x3f: {  	p1 =	sne.s32 s3, $0x5FC0;
	[tilespmem:s6+$0x1BE08] =	vst v1;
	s6 =	smov.u32 s3;
	s3 =	sadd.s32 $0x40, s3  }
.Ltmp2:
0x40: {  	(pc) =	sbr.rel @p1 .LBB2_2-.Ltmp2, $2  }
0x41: {  	_ =	sdelay $0x2  }
0x42: {  	s6 =	sshra.s32 s6, $0x2  }
0x43: {  	[tilespmem:s6+$0x1BE08] =	vst v1  }
0x44: {  	[spmem:s16] =	stream.linear.scatter [tilespmem:s31], [sflag:$0x3], $0x1800, $0x38;
	[tilespmem:$0x1EE08] =	vst v63  }
0x45: {  	_ =	swait.ge [sflag:s0], $0x1800  }
0x46: {  	[sflag:s0] =	ssyncset.done $0x0  }
0x47: {  	s3 =	rddreg [dreg:$0xb];
	[sflag:s0] =	ssyncadd.s32 $0xFFFFE800  }
0x48: {  	[spmem:s3] =	stream.linear.scatter [tilespmem:s31], [sflag:$0x3], $0x1800, $0x38;
	[tilespmem:$0x1EE08] =	vst v63  }
0x49: {  	_ =	swait.ge [sflag:s0], $0x1800  }
0x4a: {  	[sflag:s0] =	ssyncset.done $0x0  }
0x4b: {  	s6 =	rddreg [dreg:$0xc];
	[sflag:s0] =	ssyncadd.s32 $0xFFFFE800  }
0x4c: {  	[spmem:s6] =	stream.linear.scatter [tilespmem:s31], [sflag:$0x3], $0x1800, $0x38;
	[tilespmem:$0x1EE08] =	vst v63  }
0x4d: {  	_ =	swait.ge [sflag:s0], $0x1800  }
0x4e: {  	[sflag:s0] =	ssyncset.done $0x0  }
0x4f: {  	s10 =	rddreg [dreg:$0xd];
	[sflag:s0] =	ssyncadd.s32 $0xFFFFE800  }
0x50: {  	[spmem:s10] =	stream.linear.scatter [tilespmem:s31], [sflag:$0x3], $0x1800, $0x38;
	[tilespmem:$0x1EE08] =	vst v63  }
0x51: {  	_ =	swait.ge [sflag:s0], $0x1800  }
0x52: {  	[sflag:s0] =	ssyncset.done $0x0  }
0x53: {  	s16 =	rddreg [dreg:$0xe];
	[sflag:s0] =	ssyncadd.s32 $0xFFFFE800  }
0x54: {  	[spmem:s16] =	stream.linear.scatter [tilespmem:s31], [sflag:$0x3], $0x1800, $0x38;
	[tilespmem:$0x1EE08] =	vst v63  }
0x55: {  	_ =	swait.ge [sflag:s0], $0x1800  }
0x56: {  	[sflag:s0] =	ssyncset.done $0x0  }
0x57: {  	s29 =	rddreg [dreg:$0xf];
	[sflag:s0] =	ssyncadd.s32 $0xFFFFE800  }
0x58: {  	[spmem:s29] =	stream.linear.scatter [tilespmem:s31], [sflag:$0x3], $0x1800, $0x38;
	[tilespmem:$0x1EE08] =	vst v63  }
0x59: {  	_ =	swait.ge [sflag:s0], $0x1800  }
0x5a: {  	[sflag:s0] =	ssyncset.done $0x0  }
0x5b: {  	s6 =	rddreg [dreg:$0x10];
	[sflag:s0] =	ssyncadd.s32 $0xFFFFE800  }
0x5c: {  	[spmem:s6] =	stream.linear.scatter [tilespmem:s31], [sflag:$0x3], $0x1800, $0x38;
	[tilespmem:$0x1EE08] =	vst v63  }
0x5d: {  	_ =	swait.ge [sflag:s0], $0x1800  }
0x5e: {  	[sflag:s0] =	ssyncset.done $0x0  }
0x5f: {  	s10 =	rddreg [dreg:$0x11];
	[sflag:s0] =	ssyncadd.s32 $0xFFFFE800  }
0x60: {  	[spmem:s10] =	stream.linear.scatter [tilespmem:s31], [sflag:$0x3], $0x1800, $0x38;
	[tilespmem:$0x1EE08] =	vst v63  }
0x61: {  	_ =	swait.ge [sflag:s0], $0x1800  }
0x62: {  	[sflag:s0] =	ssyncset.done $0x0  }
0x63: {  	s16 =	rddreg [dreg:$0x12];
	[sflag:s0] =	ssyncadd.s32 $0xFFFFE800  }
0x64: {  	[spmem:s16] =	stream.linear.scatter [tilespmem:s31], [sflag:$0x3], $0x1800, $0x38;
	[tilespmem:$0x1EE08] =	vst v63  }
0x65: {  	_ =	swait.ge [sflag:s0], $0x1800  }
0x66: {  	[sflag:s0] =	ssyncset.done $0x0  }
0x67: {  	s29 =	rddreg [dreg:$0x13];
	[sflag:s0] =	ssyncadd.s32 $0xFFFFE800  }
0x68: {  	[spmem:s29] =	stream.linear.scatter [tilespmem:s31], [sflag:$0x3], $0x1800, $0x38;
	[tilespmem:$0x1EE08] =	vst v63  }
0x69: {  	_ =	swait.ge [sflag:s0], $0x1800  }
0x6a: {  	[sflag:s0] =	ssyncset.done $0x0  }
0x6b: {  	s6 =	rddreg [dreg:$0x14];
	[sflag:s0] =	ssyncadd.s32 $0xFFFFE800  }
0x6c: {  	[spmem:s6] =	stream.linear.scatter [tilespmem:s31], [sflag:$0x3], $0x1800, $0x38;
	[tilespmem:$0x1EE08] =	vst v63  }
0x6d: {  	_ =	swait.ge [sflag:s0], $0x1800  }
0x6e: {  	[sflag:s0] =	ssyncset.done $0x0  }
0x6f: {  	s10 =	rddreg [dreg:$0x16];
	[sflag:s0] =	ssyncadd.s32 $0xFFFFE800  }
0x70: {  	[spmem:s10] =	stream.linear.scatter [tilespmem:s31], [sflag:$0x3], $0x1800, $0x38;
	[tilespmem:$0x1EE08] =	vst v63  }
0x71: {  	_ =	swait.ge [sflag:s0], $0x1800  }
0x72: {  	[sflag:s0] =	ssyncset.done $0x0  }
0x73: {  	s16 =	rddreg [dreg:$0x17];
	[sflag:s0] =	ssyncadd.s32 $0xFFFFE800  }
0x74: {  	[spmem:s16] =	stream.linear.scatter [tilespmem:s31], [sflag:$0x3], $0x1800, $0x38;
	[tilespmem:$0x1EE08] =	vst v63  }
0x75: {  	_ =	swait.ge [sflag:s0], $0x1800  }
0x76: {  	[sflag:s0] =	ssyncset.done $0x0  }
0x77: {  	s29 =	rddreg [dreg:$0x18];
	[sflag:s0] =	ssyncadd.s32 $0xFFFFE800  }
0x78: {  	[spmem:s29] =	stream.linear.scatter [tilespmem:s31], [sflag:$0x3], $0x1800, $0x38;
	[tilespmem:$0x1EE08] =	vst v63  }
0x79: {  	_ =	swait.ge [sflag:s0], $0x1800  }
0x7a: {  	[sflag:s0] =	ssyncset.done $0x0  }
0x7b: {  	s6 =	rddreg [dreg:$0x19];
	[sflag:s0] =	ssyncadd.s32 $0xFFFFE800  }
0x7c: {  	[spmem:s6] =	stream.linear.scatter [tilespmem:s31], [sflag:$0x3], $0x1800, $0x38;
	[tilespmem:$0x1EE08] =	vst v63  }
0x7d: {  	_ =	swait.ge [sflag:s0], $0x1800  }
0x7e: {  	[sflag:s0] =	ssyncset.done $0x0  }
0x7f: {  	s10 =	rddreg [dreg:$0x1a];
	[sflag:s0] =	ssyncadd.s32 $0xFFFFE800  }
0x80: {  	[spmem:s10] =	stream.linear.scatter [tilespmem:s31], [sflag:$0x3], $0x1800, $0x38;
	[tilespmem:$0x1EE08] =	vst v63  }
0x81: {  	_ =	swait.ge [sflag:s0], $0x1800  }
0x82: {  	[sflag:s0] =	ssyncset.done $0x0  }
0x83: {  	s16 =	rddreg [dreg:$0x5];
	[sflag:s0] =	ssyncadd.s32 $0xFFFFE800  }
0x84: {  	[spmem:s16] =	stream.linear.scatter [tilespmem:s31], [sflag:$0x3], $0x800, $0x38;
	[tilespmem:$0x1EE08] =	vst v63  }
0x85: {  	_ =	swait.ge [sflag:s0], $0x800  }
0x86: {  	[sflag:s0] =	ssyncset.done $0x0  }
0x87: {  	[sflag:s0] =	ssyncadd.s32 $0xFFFFF800  }
0x88: {  	[bflag:$0x0] =	sbarrier.arrive $0xFFFF  }
0x89: {  	s30 =	simm.s32 $0x0;
	s29 =	rddreg [dreg:$0x6]  }
0x8a: {  	[tilespmem:s2], [sflag:$0x3] =	stream.linear.gather [hbm4b:s29+s30], $0x300, $0x38;
	[tilespmem:$0x1EE08] =	vst v63  }
0x8b: {  	_ =	swait.ge [sflag:s0], $0x300  }
0x8c: {  	[sflag:s0] =	ssyncset.done $0x0  }
0x8d: {  	[sflag:s0] =	ssyncadd.s32 $0xFFFFFD00  }
0x8e: {  	v2 =	vld [tilespmem:$0x18888]  }
0x8f: {  	v3 =	vld [tilespmem:$0x18898]  }
0x90: {  	v4 =	vld [tilespmem:$0x188A8]  }
0x91: {  	v5 =	vld [tilespmem:$0x188B8]  }
0x92: {  	v6 =	vld [tilespmem:$0x188C8]  }
0x93: {  	v7 =	vld [tilespmem:$0x188D8];
	v2 =	vsub.s32 v2, v0  }
0x94: {  	v8 =	vld [tilespmem:$0x188E8];
	v3 =	vsub.s32 v3, v0;
	v2 =	vmin.u32 v2, $0x18800  }
0x95: {  	v47 =	vld [tilespmem:$0x188F8];
	[tilespmem:$0x18B08] =	vst v2;
	v2 =	vmin.u32 v3, $0x18800;
	v3 =	vsub.s32 v4, v0  }
0x96: {  	v48 =	vld [tilespmem:$0x18988];
	[tilespmem:$0x18B18] =	vst v2;
	v2 =	vmin.u32 v3, $0x18800;
	v3 =	vsub.s32 v5, v0  }
0x97: {  	v49 =	vld [tilespmem:$0x18998];
	[tilespmem:$0x18B28] =	vst v2;
	v2 =	vmin.u32 v3, $0x18800;
	v3 =	vsub.s32 v6, v0  }
0x98: {  	v50 =	vld [tilespmem:$0x189A8];
	[tilespmem:$0x18B38] =	vst v2;
	v2 =	vmin.u32 v3, $0x18800;
	v3 =	vsub.s32 v7, v0  }
0x99: {  	v51 =	vld [tilespmem:$0x189B8];
	[tilespmem:$0x18B48] =	vst v2;
	v2 =	vmin.u32 v3, $0x18800;
	v3 =	vsub.s32 v8, v0  }
0x9a: {  	v52 =	vld [tilespmem:$0x189C8];
	[tilespmem:$0x18B58] =	vst v2;
	v2 =	vmin.u32 v3, $0x18800;
	v3 =	vsub.s32 v47, v0  }
0x9b: {  	v53 =	vld [tilespmem:$0x189D8];
	[tilespmem:$0x18B68] =	vst v2;
	v2 =	vmin.u32 v3, $0x18800;
	v3 =	vsub.s32 v48, v0  }
0x9c: {  	v54 =	vld [tilespmem:$0x189E8];
	[tilespmem:$0x18B78] =	vst v2;
	v2 =	vmin.u32 v3, $0x18800;
	v3 =	vsub.s32 v49, v0  }
0x9d: {  	v55 =	vld [tilespmem:$0x189F8];
	[tilespmem:$0x18B88] =	vst v2;
	v2 =	vmin.u32 v3, $0x18800;
	v3 =	vsub.s32 v50, v0  }
0x9e: {  	v56 =	vld [tilespmem:$0x18A88];
	[tilespmem:$0x18B98] =	vst v2;
	v2 =	vmin.u32 v3, $0x18800;
	v3 =	vsub.s32 v51, v0  }
0x9f: {  	v57 =	vld [tilespmem:$0x18A98];
	[tilespmem:$0x18BA8] =	vst v2;
	v2 =	vmin.u32 v3, $0x18800;
	v3 =	vsub.s32 v52, v0  }
0xa0: {  	v58 =	vld [tilespmem:$0x18AA8];
	[tilespmem:$0x18BB8] =	vst v2;
	v2 =	vmin.u32 v3, $0x18800;
	v3 =	vsub.s32 v53, v0  }
0xa1: {  	v59 =	vld [tilespmem:$0x18AB8];
	[tilespmem:$0x18BC8] =	vst v2;
	v2 =	vmin.u32 v3, $0x18800;
	v3 =	vsub.s32 v54, v0  }
0xa2: {  	v60 =	vld [tilespmem:$0x18AC8];
	[tilespmem:$0x18BD8] =	vst v2;
	v2 =	vmin.u32 v3, $0x18800;
	v3 =	vsub.s32 v55, v0  }
0xa3: {  	v61 =	vld [tilespmem:$0x18AD8];
	[tilespmem:$0x18BE8] =	vst v2;
	v2 =	vmin.u32 v3, $0x18800;
	v3 =	vsub.s32 v56, v0  }
0xa4: {  	v62 =	vld [tilespmem:$0x18AE8];
	[tilespmem:$0x18BF8] =	vst v2;
	v2 =	vmin.u32 v3, $0x18800;
	v3 =	vsub.s32 v57, v0  }
0xa5: {  	v63 =	vld [tilespmem:$0x18AF8];
	[tilespmem:$0x18C08] =	vst v2;
	v2 =	vmin.u32 v3, $0x18800;
	v3 =	vsub.s32 v58, v0  }
0xa6: {  	[tilespmem:$0x18C18] =	vst v2;
	v2 =	vmin.u32 v3, $0x18800;
	v3 =	vsub.s32 v59, v0  }
0xa7: {  	[tilespmem:$0x18C28] =	vst v2;
	v2 =	vmin.u32 v3, $0x18800;
	v3 =	vsub.s32 v60, v0  }
0xa8: {  	[tilespmem:$0x18C38] =	vst v2;
	v2 =	vmin.u32 v3, $0x18800;
	v3 =	vsub.s32 v61, v0  }
0xa9: {  	[tilespmem:$0x18C48] =	vst v2;
	v2 =	vmin.u32 v3, $0x18800;
	v3 =	vsub.s32 v62, v0  }
0xaa: {  	[tilespmem:$0x18C58] =	vst v2;
	v2 =	vmin.u32 v3, $0x18800;
	v3 =	vsub.s32 v63, v0  }
0xab: {  	[tilespmem:$0x18C68] =	vst v2;
	v2 =	vmin.u32 v3, $0x18800  }
0xac: {  	[tilespmem:$0x18C78] =	vst v2  }
0xad: {  	[tilespmem:s8], [sflag:$0x1] =	stream.indirect.gather [hbm4b:s4+s7], $0x20, s2, s7, $0xb8;
	[tilespmem:$0x1EE08] =	vst v63  }
.Ltmp3:
0xae: {  	_ = 	snop;
	(pc) =	sbr.rel .LBB2_4-.Ltmp3, $4  }
0xaf: {  	_ = 	snop  }
0xb0: {  	[tilespmem:s12], [sflag:$0x1] =	stream.indirect.gather [hbm4b:s4+s7], $0x20, s11, s7, $0xb8;
	[tilespmem:$0x1EE08] =	vst v63  }
0xb1: {  	_ = 	snop  }
0xb2: {  	[tilespmem:s14], [sflag:$0x1] =	stream.indirect.gather [hbm4b:s4+s7], $0x20, s13, s7, $0xb8;
	[tilespmem:$0x1EE08] =	vst v63  }
.LBB2_10:
0xb3: {  	[spmem:s1] =	stream.indirect.scatter.add.bf16 [tilespmem:s23], [sflag:$0x2], $0x10, s22, s7, $0xb8;
	[tilespmem:$0x1EE08] =	vst v63  }
0xb4: {  	s30 =	sadd.s32 $0x1, s30  }
0xb5: {  	p1 =	sne.s32 s30, $0x2C  }
.Ltmp4:
0xb6: {  	_ = 	snop;
	(pc) =	sbr.rel @!p1 .LBB2_11-.Ltmp4, $4  }
0xb7: {  	_ = 	snop  }
0xb8: {  	[spmem:s1] =	stream.indirect.scatter.add.bf16 [tilespmem:s25], [sflag:$0x2], $0x10, s24, s7, $0xb8;
	[tilespmem:$0x1EE08] =	vst v63  }
0xb9: {  	_ = 	snop  }
0xba: {  	[spmem:s1] =	stream.indirect.scatter.add.bf16 [tilespmem:s28], [sflag:$0x2], $0x10, s26, s7, $0xb8;
	[tilespmem:$0x1EE08] =	vst v63  }
.LBB2_4:
0xbb: {  	_ =	swait.ge [sflag:s15], $0x1000  }
0xbc: {  	[sflag:s15] =	ssyncset.done $0x0  }
0xbd: {  	[sflag:s15] =	ssyncadd.s32 $0xFFFFF000  }
0xbe: {  	_ =	swait.ge [sflag:s15], $0x1000  }
0xbf: {  	[sflag:s15] =	ssyncset.done $0x0  }
0xc0: {  	[sflag:s15] =	ssyncadd.s32 $0xFFFFF000  }
0xc1: {  	_ =	swait.ge [sflag:s15], $0x1000  }
0xc2: {  	[sflag:s15] =	ssyncset.done $0x0  }
0xc3: {  	s29 =	simm.s32 $0x18E18;
	[sflag:s15] =	ssyncadd.s32 $0xFFFFF000  }
0xc4: {  	v2 =	vld [tilespmem:s29+$0x0]  }
0xc5: {  	s3 =	simm.s32 $0x40;
	s6 =	simm.s32 $0x0;
	v3 =	vld [tilespmem:s29+$0xFFFFFFF0]  }
.LBB2_5:
0xc6: {  	p1 =	sne.s32 s3, $0x5FC0;
	_ =	sdelay $0x3  }
0xc7: {  	v2 =	vpack.i.f32.bf16 v2, v3  }
0xc8: {  	v3 =	vunpack.i.u.s16.s32 v2;
	v2 =	vunpack.i.l.s16.s32 v2  }
.Ltmp5:
0xc9: {  	v2 =	vpack.c.b32.b16 v3, v2;
	(pc) =	sbr.rel @p1 .LBB2_5-.Ltmp5, $4  }
0xca: {  	s10 =	sshra.s32 s6, $0x2;
	s6 =	smov.u32 s3  }
0xcb: {  	s29 =	sadd.s32 $0x20, s29;
	[tilespmem:s10+$0x1BE08] =	vst v2  }
0xcc: {  	v2 =	vld [tilespmem:s29+$0x0]  }
0xcd: {  	s3 =	sadd.s32 $0x40, s3;
	v3 =	vld [tilespmem:s29+$0xFFFFFFF0]  }
0xce: {  	_ =	sdelay $0x3  }
0xcf: {  	v2 =	vpack.i.f32.bf16 v2, v3  }
0xd0: {  	v3 =	vunpack.i.u.s16.s32 v2;
	v2 =	vunpack.i.l.s16.s32 v2  }
0xd1: {  	v2 =	vpack.c.b32.b16 v3, v2  }
0xd2: {  	s3 =	sshra.s32 s6, $0x2;
	p1 =	seq.s32 s30, $0x0  }
0xd3: {  	[tilespmem:s3+$0x1BE08] =	vst v2;
	s3 =	simm.s32 @!p1 $0x2  }
0xd4: {  	_ =	swait.ge @!p1 [sflag:s3], $0x800  }
0xd5: {  	[sflag:s3] =	ssyncset.done @!p1 $0x0  }
0xd6: {  	[sflag:s3] =	ssyncadd.s32 @!p1 $0xFFFFF800  }
0xd7: {  	_ =	swait.ge @!p1 [sflag:s3], $0x800  }
0xd8: {  	s6 =	smul.u32 $0x6, s30;
	[sflag:s3] =	ssyncset.done @!p1 $0x0  }
0xd9: {  	[sflag:s3] =	ssyncadd.s32 @!p1 $0xFFFFF800  }
0xda: {  	s10 =	sadd.s32 s6, s9;
	_ =	swait.ge @!p1 [sflag:s3], $0x800  }
0xdb: {  	s10 =	sshll.u32 s10, $0x5;
	[sflag:s3] =	ssyncset.done @!p1 $0x0  }
0xdc: {  	s29 =	simm.s32 $0x0;
	s10 =	sadd.s32 s5, s10;
	[sflag:s3] =	ssyncadd.s32 @!p1 $0xFFFFF800  }
0xdd: {  	[tilespmem:s2], [sflag:$0x3] =	stream.linear.gather [hbm4b:s10+s29], $0x300, $0x38;
	[tilespmem:$0x1EE08] =	vst v63  }
0xde: {  	_ =	swait.ge [sflag:s0], $0x300  }
0xdf: {  	[sflag:s0] =	ssyncset.done $0x0  }
0xe0: {  	[sflag:s0] =	ssyncadd.s32 $0xFFFFFD00  }
0xe1: {  	v2 =	vld [tilespmem:$0x18888]  }
0xe2: {  	v3 =	vld [tilespmem:$0x18898]  }
0xe3: {  	v4 =	vld [tilespmem:$0x188A8]  }
0xe4: {  	v5 =	vld [tilespmem:$0x188B8]  }
0xe5: {  	v6 =	vld [tilespmem:$0x188C8]  }
0xe6: {  	v7 =	vld [tilespmem:$0x188D8];
	v2 =	vsub.s32 v2, v0  }
0xe7: {  	v8 =	vld [tilespmem:$0x188E8];
	v3 =	vsub.s32 v3, v0;
	v2 =	vmin.u32 v2, $0x18800  }
0xe8: {  	[tilespmem:$0x18C88] =	vst v2;
	v2 =	vmin.u32 v3, $0x18800;
	v3 =	vsub.s32 v4, v0;
	v4 =	vld [tilespmem:$0x188F8]  }
0xe9: {  	[tilespmem:$0x18C98] =	vst v2;
	v2 =	vmin.u32 v3, $0x18800;
	v3 =	vsub.s32 v5, v0;
	v5 =	vld [tilespmem:$0x18988]  }
0xea: {  	v55 =	vld [tilespmem:$0x18998];
	[tilespmem:$0x18CA8] =	vst v2;
	v2 =	vmin.u32 v3, $0x18800;
	v3 =	vsub.s32 v6, v0  }
0xeb: {  	v56 =	vld [tilespmem:$0x189A8];
	[tilespmem:$0x18CB8] =	vst v2;
	v2 =	vmin.u32 v3, $0x18800;
	v3 =	vsub.s32 v7, v0  }
0xec: {  	v57 =	vld [tilespmem:$0x189B8];
	[tilespmem:$0x18CC8] =	vst v2;
	v2 =	vmin.u32 v3, $0x18800;
	v3 =	vsub.s32 v8, v0  }
0xed: {  	[tilespmem:$0x18CD8] =	vst v2;
	v2 =	vmin.u32 v3, $0x18800;
	v3 =	vsub.s32 v4, v0;
	v4 =	vld [tilespmem:$0x189C8]  }
0xee: {  	[tilespmem:$0x18CE8] =	vst v2;
	v2 =	vmin.u32 v3, $0x18800;
	v3 =	vsub.s32 v5, v0;
	v5 =	vld [tilespmem:$0x189D8]  }
0xef: {  	v58 =	vld [tilespmem:$0x189E8];
	[tilespmem:$0x18CF8] =	vst v2;
	v2 =	vmin.u32 v3, $0x18800;
	v3 =	vsub.s32 v55, v0  }
0xf0: {  	v59 =	vld [tilespmem:$0x189F8];
	[tilespmem:$0x18D08] =	vst v2;
	v2 =	vmin.u32 v3, $0x18800;
	v3 =	vsub.s32 v56, v0  }
0xf1: {  	v60 =	vld [tilespmem:$0x18A88];
	[tilespmem:$0x18D18] =	vst v2;
	v2 =	vmin.u32 v3, $0x18800;
	v3 =	vsub.s32 v57, v0  }
0xf2: {  	[tilespmem:$0x18D28] =	vst v2;
	v2 =	vmin.u32 v3, $0x18800;
	v3 =	vsub.s32 v4, v0;
	v4 =	vld [tilespmem:$0x18A98]  }
0xf3: {  	[tilespmem:$0x18D38] =	vst v2;
	v2 =	vmin.u32 v3, $0x18800;
	v3 =	vsub.s32 v5, v0;
	v5 =	vld [tilespmem:$0x18AA8]  }
0xf4: {  	v61 =	vld [tilespmem:$0x18AB8];
	[tilespmem:$0x18D48] =	vst v2;
	v2 =	vmin.u32 v3, $0x18800;
	v3 =	vsub.s32 v58, v0  }
0xf5: {  	v62 =	vld [tilespmem:$0x18AC8];
	[tilespmem:$0x18D58] =	vst v2;
	v2 =	vmin.u32 v3, $0x18800;
	v3 =	vsub.s32 v59, v0  }
0xf6: {  	v63 =	vld [tilespmem:$0x18AD8];
	[tilespmem:$0x18D68] =	vst v2;
	v2 =	vmin.u32 v3, $0x18800;
	v3 =	vsub.s32 v60, v0  }
0xf7: {  	[tilespmem:$0x18D78] =	vst v2;
	v2 =	vmin.u32 v3, $0x18800;
	v3 =	vsub.s32 v4, v0;
	v4 =	vld [tilespmem:$0x18AE8]  }
0xf8: {  	[tilespmem:$0x18D88] =	vst v2;
	v2 =	vmin.u32 v3, $0x18800;
	v3 =	vsub.s32 v5, v0;
	v5 =	vld [tilespmem:$0x18AF8]  }
0xf9: {  	[tilespmem:$0x18D98] =	vst v2;
	v2 =	vmin.u32 v3, $0x18800;
	v3 =	vsub.s32 v61, v0  }
0xfa: {  	[tilespmem:$0x18DA8] =	vst v2;
	v2 =	vmin.u32 v3, $0x18800;
	v3 =	vsub.s32 v62, v0  }
0xfb: {  	[tilespmem:$0x18DB8] =	vst v2;
	v2 =	vmin.u32 v3, $0x18800;
	v3 =	vsub.s32 v63, v0  }
0xfc: {  	[tilespmem:$0x18DC8] =	vst v2;
	v2 =	vmin.u32 v3, $0x18800;
	v3 =	vsub.s32 v4, v0  }
0xfd: {  	[tilespmem:$0x18DD8] =	vst v2;
	v2 =	vmin.u32 v3, $0x18800;
	v3 =	vsub.s32 v5, v0  }
0xfe: {  	[tilespmem:$0x18DE8] =	vst v2;
	v2 =	vmin.u32 v3, $0x18800  }
0xff: {  	[tilespmem:$0x18DF8] =	vst v2  }
0x100: {  	[tilespmem:s8], [sflag:$0x1] =	stream.indirect.gather [hbm4b:s4+s7], $0x20, s2, s7, $0xb8;
	[tilespmem:$0x1EE08] =	vst v63  }
0x101: {  	_ = 	snop  }
0x102: {  	[tilespmem:s12], [sflag:$0x1] =	stream.indirect.gather [hbm4b:s4+s7], $0x20, s11, s7, $0xb8;
	[tilespmem:$0x1EE08] =	vst v63  }
0x103: {  	_ = 	snop  }
0x104: {  	[tilespmem:s14], [sflag:$0x1] =	stream.indirect.gather [hbm4b:s4+s7], $0x20, s13, s7, $0xb8;
	[tilespmem:$0x1EE08] =	vst v63  }
0x105: {  	s16 =	simm.s32 $0x18B08  }
0x106: {  	[spmem:s1] =	stream.indirect.scatter.add.bf16 [tilespmem:s31], [sflag:$0x2], $0x10, s16, s7, $0xb8;
	[tilespmem:$0x1EE08] =	vst v63  }
0x107: {  	_ = 	snop  }
0x108: {  	[spmem:s1] =	stream.indirect.scatter.add.bf16 [tilespmem:s18], [sflag:$0x2], $0x10, s17, s7, $0xb8;
	[tilespmem:$0x1EE08] =	vst v63  }
0x109: {  	_ = 	snop  }
0x10a: {  	[spmem:s1] =	stream.indirect.scatter.add.bf16 [tilespmem:s20], [sflag:$0x2], $0x10, s19, s7, $0xb8;
	[tilespmem:$0x1EE08] =	vst v63  }
0x10b: {  	_ =	swait.ge [sflag:s15], $0x1000  }
0x10c: {  	[sflag:s15] =	ssyncset.done $0x0  }
0x10d: {  	[sflag:s15] =	ssyncadd.s32 $0xFFFFF000  }
0x10e: {  	_ =	swait.ge [sflag:s15], $0x1000  }
0x10f: {  	[sflag:s15] =	ssyncset.done $0x0  }
0x110: {  	[sflag:s15] =	ssyncadd.s32 $0xFFFFF000  }
0x111: {  	_ =	swait.ge [sflag:s15], $0x1000  }
0x112: {  	[sflag:s15] =	ssyncset.done $0x0  }
0x113: {  	s3 =	simm.s32 $0x18E18;
	[sflag:s15] =	ssyncadd.s32 $0xFFFFF000  }
0x114: {  	v2 =	vld [tilespmem:s3+$0x0]  }
0x115: {  	s10 =	simm.s32 $0x40;
	v3 =	vld [tilespmem:s3+$0xFFFFFFF0]  }
.LBB2_7:
0x116: {  	p1 =	sne.s32 s10, $0x5FC0;
	_ =	sdelay $0x3  }
0x117: {  	v2 =	vpack.i.f32.bf16 v2, v3  }
0x118: {  	v3 =	vunpack.i.u.s16.s32 v2;
	v2 =	vunpack.i.l.s16.s32 v2  }
.Ltmp6:
0x119: {  	v2 =	vpack.c.b32.b16 v3, v2;
	(pc) =	sbr.rel @p1 .LBB2_7-.Ltmp6, $4  }
0x11a: {  	s16 =	sshra.s32 s29, $0x2;
	s29 =	smov.u32 s10  }
0x11b: {  	s3 =	sadd.s32 $0x20, s3;
	[tilespmem:s16+$0x1D608] =	vst v2  }
0x11c: {  	v2 =	vld [tilespmem:s3+$0x0]  }
0x11d: {  	s10 =	sadd.s32 $0x40, s10;
	v3 =	vld [tilespmem:s3+$0xFFFFFFF0]  }
0x11e: {  	_ =	sdelay $0x3  }
0x11f: {  	v2 =	vpack.i.f32.bf16 v2, v3  }
0x120: {  	v3 =	vunpack.i.u.s16.s32 v2;
	v2 =	vunpack.i.l.s16.s32 v2  }
0x121: {  	v2 =	vpack.c.b32.b16 v3, v2  }
0x122: {  	s3 =	sshra.s32 s29, $0x2  }
0x123: {  	[tilespmem:s3+$0x1D608] =	vst v2  }
0x124: {  	_ =	swait.ge [sflag:s21], $0x800  }
0x125: {  	[sflag:s21] =	ssyncset.done $0x0  }
0x126: {  	[sflag:s21] =	ssyncadd.s32 $0xFFFFF800  }
0x127: {  	p1 =	sgt.u32 s30, $0x2A;
	_ =	swait.ge [sflag:s21], $0x800  }
.Ltmp7:
0x128: {  	[sflag:s21] =	ssyncset.done $0x0;
	(pc) =	sbr.rel @p1 .LBB2_10-.Ltmp7, $4  }
0x129: {  	[sflag:s21] =	ssyncadd.s32 $0xFFFFF800  }
0x12a: {  	_ =	swait.ge [sflag:s21], $0x800  }
0x12b: {  	[sflag:s21] =	ssyncset.done $0x0  }
0x12c: {  	[sflag:s21] =	ssyncadd.s32 $0xFFFFF800  }
0x12d: {  	s3 =	rddreg [dreg:$0x7]  }
0x12e: {  	s3 =	sadd.s32 s6, s3  }
0x12f: {  	s3 =	sshll.u32 s3, $0x5  }
0x130: {  	s29 =	simm.s32 $0x0;
	s3 =	sadd.s32 s5, s3  }
0x131: {  	[tilespmem:s2], [sflag:$0x3] =	stream.linear.gather [hbm4b:s3+s29], $0x300, $0x38;
	[tilespmem:$0x1EE08] =	vst v63  }
0x132: {  	_ =	swait.ge [sflag:s0], $0x300  }
0x133: {  	[sflag:s0] =	ssyncset.done $0x0  }
0x134: {  	[sflag:s0] =	ssyncadd.s32 $0xFFFFFD00  }
0x135: {  	v2 =	vld [tilespmem:$0x18888]  }
0x136: {  	v3 =	vld [tilespmem:$0x18898]  }
0x137: {  	v4 =	vld [tilespmem:$0x188A8]  }
0x138: {  	v5 =	vld [tilespmem:$0x188B8]  }
0x139: {  	v6 =	vld [tilespmem:$0x188C8]  }
0x13a: {  	v7 =	vld [tilespmem:$0x188D8];
	v2 =	vsub.s32 v2, v0  }
0x13b: {  	v8 =	vld [tilespmem:$0x188E8];
	v3 =	vsub.s32 v3, v0;
	v2 =	vmin.u32 v2, $0x18800  }
0x13c: {  	v47 =	vld [tilespmem:$0x188F8];
	[tilespmem:$0x18B08] =	vst v2;
	v2 =	vmin.u32 v3, $0x18800;
	v3 =	vsub.s32 v4, v0  }
0x13d: {  	v48 =	vld [tilespmem:$0x18988];
	[tilespmem:$0x18B18] =	vst v2;
	v2 =	vmin.u32 v3, $0x18800;
	v3 =	vsub.s32 v5, v0  }
0x13e: {  	v49 =	vld [tilespmem:$0x18998];
	[tilespmem:$0x18B28] =	vst v2;
	v2 =	vmin.u32 v3, $0x18800;
	v3 =	vsub.s32 v6, v0  }
0x13f: {  	v50 =	vld [tilespmem:$0x189A8];
	[tilespmem:$0x18B38] =	vst v2;
	v2 =	vmin.u32 v3, $0x18800;
	v3 =	vsub.s32 v7, v0  }
0x140: {  	v51 =	vld [tilespmem:$0x189B8];
	[tilespmem:$0x18B48] =	vst v2;
	v2 =	vmin.u32 v3, $0x18800;
	v3 =	vsub.s32 v8, v0  }
0x141: {  	v52 =	vld [tilespmem:$0x189C8];
	[tilespmem:$0x18B58] =	vst v2;
	v2 =	vmin.u32 v3, $0x18800;
	v3 =	vsub.s32 v47, v0  }
0x142: {  	v53 =	vld [tilespmem:$0x189D8];
	[tilespmem:$0x18B68] =	vst v2;
	v2 =	vmin.u32 v3, $0x18800;
	v3 =	vsub.s32 v48, v0  }
0x143: {  	v54 =	vld [tilespmem:$0x189E8];
	[tilespmem:$0x18B78] =	vst v2;
	v2 =	vmin.u32 v3, $0x18800;
	v3 =	vsub.s32 v49, v0  }
0x144: {  	v55 =	vld [tilespmem:$0x189F8];
	[tilespmem:$0x18B88] =	vst v2;
	v2 =	vmin.u32 v3, $0x18800;
	v3 =	vsub.s32 v50, v0  }
0x145: {  	v56 =	vld [tilespmem:$0x18A88];
	[tilespmem:$0x18B98] =	vst v2;
	v2 =	vmin.u32 v3, $0x18800;
	v3 =	vsub.s32 v51, v0  }
0x146: {  	v57 =	vld [tilespmem:$0x18A98];
	[tilespmem:$0x18BA8] =	vst v2;
	v2 =	vmin.u32 v3, $0x18800;
	v3 =	vsub.s32 v52, v0  }
0x147: {  	v58 =	vld [tilespmem:$0x18AA8];
	[tilespmem:$0x18BB8] =	vst v2;
	v2 =	vmin.u32 v3, $0x18800;
	v3 =	vsub.s32 v53, v0  }
0x148: {  	v59 =	vld [tilespmem:$0x18AB8];
	[tilespmem:$0x18BC8] =	vst v2;
	v2 =	vmin.u32 v3, $0x18800;
	v3 =	vsub.s32 v54, v0  }
0x149: {  	v60 =	vld [tilespmem:$0x18AC8];
	[tilespmem:$0x18BD8] =	vst v2;
	v2 =	vmin.u32 v3, $0x18800;
	v3 =	vsub.s32 v55, v0  }
0x14a: {  	v61 =	vld [tilespmem:$0x18AD8];
	[tilespmem:$0x18BE8] =	vst v2;
	v2 =	vmin.u32 v3, $0x18800;
	v3 =	vsub.s32 v56, v0  }
0x14b: {  	v62 =	vld [tilespmem:$0x18AE8];
	[tilespmem:$0x18BF8] =	vst v2;
	v2 =	vmin.u32 v3, $0x18800;
	v3 =	vsub.s32 v57, v0  }
0x14c: {  	v63 =	vld [tilespmem:$0x18AF8];
	[tilespmem:$0x18C08] =	vst v2;
	v2 =	vmin.u32 v3, $0x18800;
	v3 =	vsub.s32 v58, v0  }
0x14d: {  	[tilespmem:$0x18C18] =	vst v2;
	v2 =	vmin.u32 v3, $0x18800;
	v3 =	vsub.s32 v59, v0  }
0x14e: {  	[tilespmem:$0x18C28] =	vst v2;
	v2 =	vmin.u32 v3, $0x18800;
	v3 =	vsub.s32 v60, v0  }
0x14f: {  	[tilespmem:$0x18C38] =	vst v2;
	v2 =	vmin.u32 v3, $0x18800;
	v3 =	vsub.s32 v61, v0  }
0x150: {  	[tilespmem:$0x18C48] =	vst v2;
	v2 =	vmin.u32 v3, $0x18800;
	v3 =	vsub.s32 v62, v0  }
0x151: {  	[tilespmem:$0x18C58] =	vst v2;
	v2 =	vmin.u32 v3, $0x18800;
	v3 =	vsub.s32 v63, v0  }
0x152: {  	[tilespmem:$0x18C68] =	vst v2;
	v2 =	vmin.u32 v3, $0x18800  }
0x153: {  	[tilespmem:$0x18C78] =	vst v2  }
0x154: {  	[tilespmem:s8], [sflag:$0x1] =	stream.indirect.gather [hbm4b:s4+s7], $0x20, s2, s7, $0xb8;
	[tilespmem:$0x1EE08] =	vst v63  }
.Ltmp8:
0x155: {  	_ = 	snop;
	(pc) =	sbr.rel .LBB2_10-.Ltmp8, $4  }
0x156: {  	_ = 	snop  }
0x157: {  	[tilespmem:s12], [sflag:$0x1] =	stream.indirect.gather [hbm4b:s4+s7], $0x20, s11, s7, $0xb8;
	[tilespmem:$0x1EE08] =	vst v63  }
0x158: {  	_ = 	snop  }
0x159: {  	[tilespmem:s14], [sflag:$0x1] =	stream.indirect.gather [hbm4b:s4+s7], $0x20, s13, s7, $0xb8;
	[tilespmem:$0x1EE08] =	vst v63  }
.LBB2_12:
0x15a: {  	_ =	sfence.sel $0x180000  }
0x15b: {  	[bflag:$0x0] =	sbarrier.arrive $0xFFFF  }
0x15c: {  	_ =	strace $0x90000047  }
0x15d: {  	s0 =	stileid.u32;
	[bflag:$0x2] =	sbarrier.arrive $0xFFFF  }
0x15e: {  	p0 =	sne.s32 s0, $0x0;
	s0 =	rddreg [dreg:$0x3]  }
0x15f: {  	s0 =	sadd.s32 @!p0 $0x100000, s0  }
0x160: {  	[sflag:s0] =	ssyncadd.tile.s32 @!p0 $0x1;
	_ =	shalt  }
.Lfunc_end2:
_tile_overlayer_lowered:
.L_overlay_start_2:
0x161: {  	(tag) =	ssettag $0x2  }
0x162: {  	s0 =	rddreg [dreg:$0x0];
	s2 =	stileid.u32  }
0x163: {  	s1 =	rddreg [dreg:$0x1];
	p0 =	sne.s32 s2, $0x0  }
0x164: {  	s3 =	rddreg [dreg:$0x2];
	[bflag:$0x3] =	sbarrier.arrive $0xFFFF;
	s2 =	simm.s32 @!p0 $0x1C03  }
0x165: {  	[timem:s3], [sflag:s2] =	dma.local @!p0 [hbm:s0], s1  }
0x166: {  	s0 =	simm.s32 @!p0 $0x3  }
0x167: {  	_ =	swait.ge @!p0 [sflag:s0], s1  }
0x168: {  	s1 =	ssub.s32 @!p0 $0x0, s1;
	[sflag:s0] =	ssyncset.done @!p0 $0x0  }
0x169: {  	[sflag:s0] =	ssyncadd.s32 @!p0 s1  }
0x16a: {  	[bflag:$0x3] =	sbarrier.arrive $0xFFFF  }
0x16b: {  	_ =	shalt  }

</sc_bundles>
